<compile_context>
chip_gen: v7x
topology: tpu7x:2x2x1
jax: 0.10.2.dev20260603
libtpu: 0.0.44.dev20260713+nightly
codegen_flags: <defaults>
</compile_context>

<pallas_src>
import functools

import jax
import jax.numpy as jnp
from jax import lax
from jax.experimental import pallas as pl
from jax.experimental.pallas import tpu as pltpu
from jax.experimental.pallas import tpu_sc as plsc

BATCH = 4096
SEQ_LEN = 200
EMBED_DIM = 64

NC = 2
NS = 16
NW = NC * NS

BBLK = BATCH // NW
NBUF = 8
NGRP = SEQ_LEN // NBUF


def _gather_kernel(xt_hbm, tab_hbm, out_hbm, idx_v, rows_v, *sems):
    gsems, ssems = sems[:NBUF], sems[NBUF:]
    w = lax.axis_index("s") * NC + lax.axis_index("c")
    b0 = w * BBLK

    pltpu.sync_copy(xt_hbm.at[:, pl.ds(b0, BBLK)], idx_v)

    def _dst(s):
        return out_hbm.at[pl.ds(w * (SEQ_LEN // 2) * BBLK + (s // 2) * BBLK,
                                BBLK),
                          pl.ds((s % 2) * EMBED_DIM, EMBED_DIM)]

    for b in range(NBUF):
        pltpu.async_copy(tab_hbm.at[idx_v.at[b]], rows_v.at[b], gsems[b])

    def outer(g, carry):
        for b in range(NBUF):
            s = g * NBUF + b
            pltpu.make_async_copy(
                tab_hbm.at[idx_v.at[s]], rows_v.at[b], gsems[b]).wait()
            pltpu.async_copy(rows_v.at[b], _dst(s), ssems[b])

        @pl.when(g < NGRP - 1)
        def _refill():
            for b in range(NBUF):
                s = g * NBUF + b
                pltpu.make_async_copy(rows_v.at[b], _dst(s), ssems[b]).wait()
                pltpu.async_copy(
                    tab_hbm.at[idx_v.at[s + NBUF]], rows_v.at[b], gsems[b])

        return carry

    lax.fori_loop(0, NGRP, outer, 0)

    for b in range(NBUF):
        s = (NGRP - 1) * NBUF + b
        pltpu.make_async_copy(rows_v.at[b], _dst(s), ssems[b]).wait()


def _gather(xt, table):
    mesh = plsc.VectorSubcoreMesh(core_axis_name="c", subcore_axis_name="s")
    run = functools.partial(
        pl.kernel,
        mesh=mesh,
        compiler_params=pltpu.CompilerParams(
            use_tc_tiling_on_sc=False, needs_layout_passes=False),
        out_type=jax.ShapeDtypeStruct((BATCH * SEQ_LEN // 2, 2 * EMBED_DIM),
                                      jnp.float32),
        scratch_types=[
            pltpu.VMEM((SEQ_LEN, BBLK), jnp.int32),
            pltpu.VMEM((NBUF, BBLK, EMBED_DIM), jnp.float32),
        ] + [pltpu.SemaphoreType.DMA] * (2 * NBUF),
    )(_gather_kernel)
    return run(xt, table)


def kernel(x, table):
    xt = jnp.transpose(x).astype(jnp.int32)
    arr = _gather(xt, table)
    out = (arr.reshape(NW, SEQ_LEN // 2, BBLK, 2 * EMBED_DIM)
           .transpose(0, 2, 1, 3)
           .reshape(BATCH, SEQ_LEN, EMBED_DIM))
    return out

# --- scband reference (transcript-rebuilt; emitter-appended) ---
"""Pipeline reference for scband-base-transformer-69947837383430 (READ-ONLY COPY).

The authoritative reference and input builder live on the scoring server;
editing this copy changes nothing except your own understanding.
"""

import jax, jax.numpy as jnp
import numpy as np

NUM_EMBEDDINGS = 1000000
EMBED_DIM = 64
BATCH = 4096
SEQ_LEN = 200


def setup_inputs(seed: int = 0) -> dict:
    key = jax.random.key(seed)
    k_idx, k_tab = jax.random.split(key)
    x = jax.random.randint(k_idx, (BATCH, SEQ_LEN), 0, NUM_EMBEDDINGS, dtype=jnp.int64 if jax.config.read('jax_enable_x64') else jnp.int32)
    # nn.Embedding default init: N(0, 1)
    table = jax.random.normal(k_tab, (NUM_EMBEDDINGS, EMBED_DIM), dtype=jnp.float32)
    return {"x": x, "table": table}


def reference(x, table):
    # BaseTransformer._embed: x = x.long(); x = self.embedding(x);
    # _absolute_positional_encoding is identity in the base class.
    x = x.astype(jnp.int32)
    emb = jnp.take(table, x, axis=0)  # [B, S, D]
    return emb

if __name__ == "__main__":
    import jax
    _d = setup_inputs()
    print(jax.jit(kernel)(*tuple(_d.values())))

</pallas_src>

<mosaic_0001>
#map = affine_map<(d0, d1) -> (0, 0)>
module attributes {stable_mosaic.version = 14 : i64} {
  func.func @_gather_kernel(%arg0: i32, %arg1: i32, %arg2: memref<200x4096xi32, #tpu.memory_space<hbm>>, %arg3: memref<1000000x64xf32, #tpu.memory_space<hbm>>, %arg4: memref<409600x128xf32, #tpu.memory_space<hbm>>, %arg5: memref<200x128xi32, #tpu.memory_space<vmem>>, %arg6: memref<8x128x64xf32, #tpu.memory_space<vmem>>, %arg7: memref<!tpu.dma_semaphore, #tpu.memory_space<semaphore_mem>>, %arg8: memref<!tpu.dma_semaphore, #tpu.memory_space<semaphore_mem>>, %arg9: memref<!tpu.dma_semaphore, #tpu.memory_space<semaphore_mem>>, %arg10: memref<!tpu.dma_semaphore, #tpu.memory_space<semaphore_mem>>, %arg11: memref<!tpu.dma_semaphore, #tpu.memory_space<semaphore_mem>>, %arg12: memref<!tpu.dma_semaphore, #tpu.memory_space<semaphore_mem>>, %arg13: memref<!tpu.dma_semaphore, #tpu.memory_space<semaphore_mem>>, %arg14: memref<!tpu.dma_semaphore, #tpu.memory_space<semaphore_mem>>, %arg15: memref<!tpu.dma_semaphore, #tpu.memory_space<semaphore_mem>>, %arg16: memref<!tpu.dma_semaphore, #tpu.memory_space<semaphore_mem>>, %arg17: memref<!tpu.dma_semaphore, #tpu.memory_space<semaphore_mem>>, %arg18: memref<!tpu.dma_semaphore, #tpu.memory_space<semaphore_mem>>, %arg19: memref<!tpu.dma_semaphore, #tpu.memory_space<semaphore_mem>>, %arg20: memref<!tpu.dma_semaphore, #tpu.memory_space<semaphore_mem>>, %arg21: memref<!tpu.dma_semaphore, #tpu.memory_space<semaphore_mem>>, %arg22: memref<!tpu.dma_semaphore, #tpu.memory_space<semaphore_mem>>) attributes {dimension_semantics = [#tpu.dimension_semantics<core_parallel>, #tpu.dimension_semantics<subcore_parallel>], iteration_bounds = array<i64: 2, 16>, scalar_prefetch = 0 : i64, scratch_operands = 18 : i64, tpu.core_type = #tpu.core_type<sc_vector_subcore>, window_params = [{transform_indices = #map}, {transform_indices = #map}, {transform_indices = #map}]} {
    %mul3A = arith.constant 2 : i32
    %mul3A_0 = arith.muli %arg1, %mul3A : i32
    %add3A = arith.addi %mul3A_0, %arg0 : i32
    %mul3A_1 = arith.constant 128 : i32
    %mul3A_2 = arith.muli %add3A, %mul3A_1 : i32
    "tpu.region"() ({
      %run_scoped3A = tpu.sem_alloc : memref<!tpu.dma_semaphore, #tpu.memory_space<semaphore_mem>>
      %dma_start3A_254 = arith.constant 0 : i32
      %dma_start3A_255 = tpu.memref_slice %arg2[%dma_start3A_254, %mul3A_2] : memref<200x4096xi32, #tpu.memory_space<hbm>> -> memref<200x128xi32, #tpu.memory_space<hbm>>
      %dma_start3A_256 = arith.constant 0 : i32
      %dma_start3A_257 = tpu.memref_slice %arg2[%dma_start3A_256, %mul3A_2] : memref<200x4096xi32, #tpu.memory_space<hbm>> -> memref<200x128xi32, #tpu.memory_space<hbm>>
      tpu.enqueue_dma source(%dma_start3A_257 : memref<200x128xi32, #tpu.memory_space<hbm>>) target(%arg5 : memref<200x128xi32, #tpu.memory_space<vmem>>) target_semaphore(%run_scoped3A : memref<!tpu.dma_semaphore, #tpu.memory_space<semaphore_mem>>)
      %dma_wait3A_258 = arith.constant 0 : i32
      %dma_wait3A_259 = tpu.memref_slice %arg2[%dma_wait3A_258, %mul3A_2] : memref<200x4096xi32, #tpu.memory_space<hbm>> -> memref<200x128xi32, #tpu.memory_space<hbm>>
      %dma_wait3A_260 = arith.constant 0 : i32
      %dma_wait3A_261 = tpu.memref_slice %arg2[%dma_wait3A_260, %mul3A_2] : memref<200x4096xi32, #tpu.memory_space<hbm>> -> memref<200x128xi32, #tpu.memory_space<hbm>>
      tpu.wait_dma2 semaphore(%run_scoped3A : memref<!tpu.dma_semaphore, #tpu.memory_space<semaphore_mem>>) src(%dma_wait3A_261 : memref<200x128xi32, #tpu.memory_space<hbm>>) dst(%arg5 : memref<200x128xi32, #tpu.memory_space<vmem>>)
      tpu.yield
    }) : () -> ()
    %dma_start3A = arith.constant 0 : i32
    %dma_start3A_3 = arith.constant 0 : i32
    %dma_start3A_4 = arith.constant 0 : i32
    %dma_start3A_5 = arith.constant 0 : i32
    %dma_start3A_6 = tpu.memref_slice %arg6[%dma_start3A_3, %dma_start3A_4, %dma_start3A_5] : memref<8x128x64xf32, #tpu.memory_space<vmem>> -> memref<1x128x64xf32, #tpu.memory_space<vmem>>
    %dma_start3A_7 = tpu.memref_squeeze %dma_start3A_6 : memref<1x128x64xf32, #tpu.memory_space<vmem>> -> memref<128x64xf32, #tpu.memory_space<vmem>>
    %dma_start3A_8 = arith.constant 0 : i32
    %dma_start3A_9 = tpu.memref_slice %arg5[%dma_start3A, %dma_start3A_8] : memref<200x128xi32, #tpu.memory_space<vmem>> -> memref<1x128xi32, #tpu.memory_space<vmem>>
    %dma_start3A_10 = tpu.memref_squeeze %dma_start3A_9 : memref<1x128xi32, #tpu.memory_space<vmem>> -> memref<128xi32, #tpu.memory_space<vmem>>
    %dma_start3A_11 = arith.constant 0 : i32
    %dma_start3A_12 = arith.constant 0 : i32
    %dma_start3A_13 = tpu.memref_slice %arg3[%dma_start3A_11, %dma_start3A_12] : memref<1000000x64xf32, #tpu.memory_space<hbm>> -> memref<1000000x64xf32, #tpu.memory_space<hbm>>
    tpu.enqueue_indirect_dma source(%dma_start3A_13 : memref<1000000x64xf32, #tpu.memory_space<hbm>>) target(%dma_start3A_7 : memref<128x64xf32, #tpu.memory_space<vmem>>) offsets(%dma_start3A_10 : memref<128xi32, #tpu.memory_space<vmem>>) semaphore(%arg7 : memref<!tpu.dma_semaphore, #tpu.memory_space<semaphore_mem>>)
    %dma_start3A_14 = arith.constant 1 : i32
    %dma_start3A_15 = arith.constant 1 : i32
    %dma_start3A_16 = arith.constant 0 : i32
    %dma_start3A_17 = arith.constant 0 : i32
    %dma_start3A_18 = tpu.memref_slice %arg6[%dma_start3A_15, %dma_start3A_16, %dma_start3A_17] : memref<8x128x64xf32, #tpu.memory_space<vmem>> -> memref<1x128x64xf32, #tpu.memory_space<vmem>>
    %dma_start3A_19 = tpu.memref_squeeze %dma_start3A_18 : memref<1x128x64xf32, #tpu.memory_space<vmem>> -> memref<128x64xf32, #tpu.memory_space<vmem>>
    %dma_start3A_20 = arith.constant 0 : i32
    %dma_start3A_21 = tpu.memref_slice %arg5[%dma_start3A_14, %dma_start3A_20] : memref<200x128xi32, #tpu.memory_space<vmem>> -> memref<1x128xi32, #tpu.memory_space<vmem>>
    %dma_start3A_22 = tpu.memref_squeeze %dma_start3A_21 : memref<1x128xi32, #tpu.memory_space<vmem>> -> memref<128xi32, #tpu.memory_space<vmem>>
    %dma_start3A_23 = arith.constant 0 : i32
    %dma_start3A_24 = arith.constant 0 : i32
    %dma_start3A_25 = tpu.memref_slice %arg3[%dma_start3A_23, %dma_start3A_24] : memref<1000000x64xf32, #tpu.memory_space<hbm>> -> memref<1000000x64xf32, #tpu.memory_space<hbm>>
    tpu.enqueue_indirect_dma source(%dma_start3A_25 : memref<1000000x64xf32, #tpu.memory_space<hbm>>) target(%dma_start3A_19 : memref<128x64xf32, #tpu.memory_space<vmem>>) offsets(%dma_start3A_22 : memref<128xi32, #tpu.memory_space<vmem>>) semaphore(%arg8 : memref<!tpu.dma_semaphore, #tpu.memory_space<semaphore_mem>>)
    %dma_start3A_26 = arith.constant 2 : i32
    %dma_start3A_27 = arith.constant 2 : i32
    %dma_start3A_28 = arith.constant 0 : i32
    %dma_start3A_29 = arith.constant 0 : i32
    %dma_start3A_30 = tpu.memref_slice %arg6[%dma_start3A_27, %dma_start3A_28, %dma_start3A_29] : memref<8x128x64xf32, #tpu.memory_space<vmem>> -> memref<1x128x64xf32, #tpu.memory_space<vmem>>
    %dma_start3A_31 = tpu.memref_squeeze %dma_start3A_30 : memref<1x128x64xf32, #tpu.memory_space<vmem>> -> memref<128x64xf32, #tpu.memory_space<vmem>>
    %dma_start3A_32 = arith.constant 0 : i32
    %dma_start3A_33 = tpu.memref_slice %arg5[%dma_start3A_26, %dma_start3A_32] : memref<200x128xi32, #tpu.memory_space<vmem>> -> memref<1x128xi32, #tpu.memory_space<vmem>>
    %dma_start3A_34 = tpu.memref_squeeze %dma_start3A_33 : memref<1x128xi32, #tpu.memory_space<vmem>> -> memref<128xi32, #tpu.memory_space<vmem>>
    %dma_start3A_35 = arith.constant 0 : i32
    %dma_start3A_36 = arith.constant 0 : i32
    %dma_start3A_37 = tpu.memref_slice %arg3[%dma_start3A_35, %dma_start3A_36] : memref<1000000x64xf32, #tpu.memory_space<hbm>> -> memref<1000000x64xf32, #tpu.memory_space<hbm>>
    tpu.enqueue_indirect_dma source(%dma_start3A_37 : memref<1000000x64xf32, #tpu.memory_space<hbm>>) target(%dma_start3A_31 : memref<128x64xf32, #tpu.memory_space<vmem>>) offsets(%dma_start3A_34 : memref<128xi32, #tpu.memory_space<vmem>>) semaphore(%arg9 : memref<!tpu.dma_semaphore, #tpu.memory_space<semaphore_mem>>)
    %dma_start3A_38 = arith.constant 3 : i32
    %dma_start3A_39 = arith.constant 3 : i32
    %dma_start3A_40 = arith.constant 0 : i32
    %dma_start3A_41 = arith.constant 0 : i32
    %dma_start3A_42 = tpu.memref_slice %arg6[%dma_start3A_39, %dma_start3A_40, %dma_start3A_41] : memref<8x128x64xf32, #tpu.memory_space<vmem>> -> memref<1x128x64xf32, #tpu.memory_space<vmem>>
    %dma_start3A_43 = tpu.memref_squeeze %dma_start3A_42 : memref<1x128x64xf32, #tpu.memory_space<vmem>> -> memref<128x64xf32, #tpu.memory_space<vmem>>
    %dma_start3A_44 = arith.constant 0 : i32
    %dma_start3A_45 = tpu.memref_slice %arg5[%dma_start3A_38, %dma_start3A_44] : memref<200x128xi32, #tpu.memory_space<vmem>> -> memref<1x128xi32, #tpu.memory_space<vmem>>
    %dma_start3A_46 = tpu.memref_squeeze %dma_start3A_45 : memref<1x128xi32, #tpu.memory_space<vmem>> -> memref<128xi32, #tpu.memory_space<vmem>>
    %dma_start3A_47 = arith.constant 0 : i32
    %dma_start3A_48 = arith.constant 0 : i32
    %dma_start3A_49 = tpu.memref_slice %arg3[%dma_start3A_47, %dma_start3A_48] : memref<1000000x64xf32, #tpu.memory_space<hbm>> -> memref<1000000x64xf32, #tpu.memory_space<hbm>>
    tpu.enqueue_indirect_dma source(%dma_start3A_49 : memref<1000000x64xf32, #tpu.memory_space<hbm>>) target(%dma_start3A_43 : memref<128x64xf32, #tpu.memory_space<vmem>>) offsets(%dma_start3A_46 : memref<128xi32, #tpu.memory_space<vmem>>) semaphore(%arg10 : memref<!tpu.dma_semaphore, #tpu.memory_space<semaphore_mem>>)
    %dma_start3A_50 = arith.constant 4 : i32
    %dma_start3A_51 = arith.constant 4 : i32
    %dma_start3A_52 = arith.constant 0 : i32
    %dma_start3A_53 = arith.constant 0 : i32
    %dma_start3A_54 = tpu.memref_slice %arg6[%dma_start3A_51, %dma_start3A_52, %dma_start3A_53] : memref<8x128x64xf32, #tpu.memory_space<vmem>> -> memref<1x128x64xf32, #tpu.memory_space<vmem>>
    %dma_start3A_55 = tpu.memref_squeeze %dma_start3A_54 : memref<1x128x64xf32, #tpu.memory_space<vmem>> -> memref<128x64xf32, #tpu.memory_space<vmem>>
    %dma_start3A_56 = arith.constant 0 : i32
    %dma_start3A_57 = tpu.memref_slice %arg5[%dma_start3A_50, %dma_start3A_56] : memref<200x128xi32, #tpu.memory_space<vmem>> -> memref<1x128xi32, #tpu.memory_space<vmem>>
    %dma_start3A_58 = tpu.memref_squeeze %dma_start3A_57 : memref<1x128xi32, #tpu.memory_space<vmem>> -> memref<128xi32, #tpu.memory_space<vmem>>
    %dma_start3A_59 = arith.constant 0 : i32
    %dma_start3A_60 = arith.constant 0 : i32
    %dma_start3A_61 = tpu.memref_slice %arg3[%dma_start3A_59, %dma_start3A_60] : memref<1000000x64xf32, #tpu.memory_space<hbm>> -> memref<1000000x64xf32, #tpu.memory_space<hbm>>
    tpu.enqueue_indirect_dma source(%dma_start3A_61 : memref<1000000x64xf32, #tpu.memory_space<hbm>>) target(%dma_start3A_55 : memref<128x64xf32, #tpu.memory_space<vmem>>) offsets(%dma_start3A_58 : memref<128xi32, #tpu.memory_space<vmem>>) semaphore(%arg11 : memref<!tpu.dma_semaphore, #tpu.memory_space<semaphore_mem>>)
    %dma_start3A_62 = arith.constant 5 : i32
    %dma_start3A_63 = arith.constant 5 : i32
    %dma_start3A_64 = arith.constant 0 : i32
    %dma_start3A_65 = arith.constant 0 : i32
    %dma_start3A_66 = tpu.memref_slice %arg6[%dma_start3A_63, %dma_start3A_64, %dma_start3A_65] : memref<8x128x64xf32, #tpu.memory_space<vmem>> -> memref<1x128x64xf32, #tpu.memory_space<vmem>>
    %dma_start3A_67 = tpu.memref_squeeze %dma_start3A_66 : memref<1x128x64xf32, #tpu.memory_space<vmem>> -> memref<128x64xf32, #tpu.memory_space<vmem>>
    %dma_start3A_68 = arith.constant 0 : i32
    %dma_start3A_69 = tpu.memref_slice %arg5[%dma_start3A_62, %dma_start3A_68] : memref<200x128xi32, #tpu.memory_space<vmem>> -> memref<1x128xi32, #tpu.memory_space<vmem>>
    %dma_start3A_70 = tpu.memref_squeeze %dma_start3A_69 : memref<1x128xi32, #tpu.memory_space<vmem>> -> memref<128xi32, #tpu.memory_space<vmem>>
    %dma_start3A_71 = arith.constant 0 : i32
    %dma_start3A_72 = arith.constant 0 : i32
    %dma_start3A_73 = tpu.memref_slice %arg3[%dma_start3A_71, %dma_start3A_72] : memref<1000000x64xf32, #tpu.memory_space<hbm>> -> memref<1000000x64xf32, #tpu.memory_space<hbm>>
    tpu.enqueue_indirect_dma source(%dma_start3A_73 : memref<1000000x64xf32, #tpu.memory_space<hbm>>) target(%dma_start3A_67 : memref<128x64xf32, #tpu.memory_space<vmem>>) offsets(%dma_start3A_70 : memref<128xi32, #tpu.memory_space<vmem>>) semaphore(%arg12 : memref<!tpu.dma_semaphore, #tpu.memory_space<semaphore_mem>>)
    %dma_start3A_74 = arith.constant 6 : i32
    %dma_start3A_75 = arith.constant 6 : i32
    %dma_start3A_76 = arith.constant 0 : i32
    %dma_start3A_77 = arith.constant 0 : i32
    %dma_start3A_78 = tpu.memref_slice %arg6[%dma_start3A_75, %dma_start3A_76, %dma_start3A_77] : memref<8x128x64xf32, #tpu.memory_space<vmem>> -> memref<1x128x64xf32, #tpu.memory_space<vmem>>
    %dma_start3A_79 = tpu.memref_squeeze %dma_start3A_78 : memref<1x128x64xf32, #tpu.memory_space<vmem>> -> memref<128x64xf32, #tpu.memory_space<vmem>>
    %dma_start3A_80 = arith.constant 0 : i32
    %dma_start3A_81 = tpu.memref_slice %arg5[%dma_start3A_74, %dma_start3A_80] : memref<200x128xi32, #tpu.memory_space<vmem>> -> memref<1x128xi32, #tpu.memory_space<vmem>>
    %dma_start3A_82 = tpu.memref_squeeze %dma_start3A_81 : memref<1x128xi32, #tpu.memory_space<vmem>> -> memref<128xi32, #tpu.memory_space<vmem>>
    %dma_start3A_83 = arith.constant 0 : i32
    %dma_start3A_84 = arith.constant 0 : i32
    %dma_start3A_85 = tpu.memref_slice %arg3[%dma_start3A_83, %dma_start3A_84] : memref<1000000x64xf32, #tpu.memory_space<hbm>> -> memref<1000000x64xf32, #tpu.memory_space<hbm>>
    tpu.enqueue_indirect_dma source(%dma_start3A_85 : memref<1000000x64xf32, #tpu.memory_space<hbm>>) target(%dma_start3A_79 : memref<128x64xf32, #tpu.memory_space<vmem>>) offsets(%dma_start3A_82 : memref<128xi32, #tpu.memory_space<vmem>>) semaphore(%arg13 : memref<!tpu.dma_semaphore, #tpu.memory_space<semaphore_mem>>)
    %dma_start3A_86 = arith.constant 7 : i32
    %dma_start3A_87 = arith.constant 7 : i32
    %dma_start3A_88 = arith.constant 0 : i32
    %dma_start3A_89 = arith.constant 0 : i32
    %dma_start3A_90 = tpu.memref_slice %arg6[%dma_start3A_87, %dma_start3A_88, %dma_start3A_89] : memref<8x128x64xf32, #tpu.memory_space<vmem>> -> memref<1x128x64xf32, #tpu.memory_space<vmem>>
    %dma_start3A_91 = tpu.memref_squeeze %dma_start3A_90 : memref<1x128x64xf32, #tpu.memory_space<vmem>> -> memref<128x64xf32, #tpu.memory_space<vmem>>
    %dma_start3A_92 = arith.constant 0 : i32
    %dma_start3A_93 = tpu.memref_slice %arg5[%dma_start3A_86, %dma_start3A_92] : memref<200x128xi32, #tpu.memory_space<vmem>> -> memref<1x128xi32, #tpu.memory_space<vmem>>
    %dma_start3A_94 = tpu.memref_squeeze %dma_start3A_93 : memref<1x128xi32, #tpu.memory_space<vmem>> -> memref<128xi32, #tpu.memory_space<vmem>>
    %dma_start3A_95 = arith.constant 0 : i32
    %dma_start3A_96 = arith.constant 0 : i32
    %dma_start3A_97 = tpu.memref_slice %arg3[%dma_start3A_95, %dma_start3A_96] : memref<1000000x64xf32, #tpu.memory_space<hbm>> -> memref<1000000x64xf32, #tpu.memory_space<hbm>>
    tpu.enqueue_indirect_dma source(%dma_start3A_97 : memref<1000000x64xf32, #tpu.memory_space<hbm>>) target(%dma_start3A_91 : memref<128x64xf32, #tpu.memory_space<vmem>>) offsets(%dma_start3A_94 : memref<128xi32, #tpu.memory_space<vmem>>) semaphore(%arg14 : memref<!tpu.dma_semaphore, #tpu.memory_space<semaphore_mem>>)
    %scan3A = arith.constant 0 : i32
    %scan3A_98 = arith.constant 0 : i32
    %scan3A_99 = arith.constant 25 : i32
    %scan3A_100 = arith.addi %scan3A_98, %scan3A_99 : i32
    %scan3A_101 = arith.constant 1 : i32
    scf.for %scan3A_254 = %scan3A_98 to %scan3A_100 step %scan3A_101  : i32 {
      %mul3A_255 = arith.constant 8 : i32
      %mul3A_256 = arith.muli %scan3A_254, %mul3A_255 : i32
      %add3A_257 = arith.constant 0 : i32
      %add3A_258 = arith.addi %mul3A_256, %add3A_257 : i32
      %dma_wait3A_259 = arith.constant 0 : i32
      %dma_wait3A_260 = arith.constant 0 : i32
      %dma_wait3A_261 = arith.constant 0 : i32
      %dma_wait3A_262 = tpu.memref_slice %arg6[%dma_wait3A_259, %dma_wait3A_260, %dma_wait3A_261] : memref<8x128x64xf32, #tpu.memory_space<vmem>> -> memref<1x128x64xf32, #tpu.memory_space<vmem>>
      %dma_wait3A_263 = tpu.memref_squeeze %dma_wait3A_262 : memref<1x128x64xf32, #tpu.memory_space<vmem>> -> memref<128x64xf32, #tpu.memory_space<vmem>>
      %dma_wait3A_264 = arith.constant 0 : i32
      %dma_wait3A_265 = tpu.memref_slice %arg5[%add3A_258, %dma_wait3A_264] : memref<200x128xi32, #tpu.memory_space<vmem>> -> memref<1x128xi32, #tpu.memory_space<vmem>>
      %dma_wait3A_266 = tpu.memref_squeeze %dma_wait3A_265 : memref<1x128xi32, #tpu.memory_space<vmem>> -> memref<128xi32, #tpu.memory_space<vmem>>
      %dma_wait3A_267 = arith.constant 0 : i32
      %dma_wait3A_268 = arith.constant 0 : i32
      %dma_wait3A_269 = tpu.memref_slice %arg3[%dma_wait3A_267, %dma_wait3A_268] : memref<1000000x64xf32, #tpu.memory_space<hbm>> -> memref<1000000x64xf32, #tpu.memory_space<hbm>>
      tpu.wait_indirect_dma semaphore(%arg7 : memref<!tpu.dma_semaphore, #tpu.memory_space<semaphore_mem>>) src(%dma_wait3A_269 : memref<1000000x64xf32, #tpu.memory_space<hbm>>) dst(%dma_wait3A_263 : memref<128x64xf32, #tpu.memory_space<vmem>>)
      %mul3A_270 = arith.constant 100 : i32
      %mul3A_271 = arith.muli %add3A, %mul3A_270 : i32
      %mul3A_272 = arith.constant 128 : i32
      %mul3A_273 = arith.muli %mul3A_271, %mul3A_272 : i32
      %jit3A = arith.constant 2 : i32
      %div3A = arith.divsi %add3A_258, %jit3A : i32
      %sign3A = arith.constant 0 : i32
      %sign3A_274 = arith.cmpi sgt, %add3A_258, %sign3A : i32
      %sign3A_275 = arith.extui %sign3A_274 : i1 to i32
      %sign3A_276 = arith.constant 0 : i32
      %sign3A_277 = arith.cmpi slt, %add3A_258, %sign3A_276 : i32
      %sign3A_278 = arith.extui %sign3A_277 : i1 to i32
      %sign3A_279 = arith.subi %sign3A_275, %sign3A_278 : i32
      %sign3A_280 = arith.constant 0 : i32
      %sign3A_281 = arith.cmpi sgt, %jit3A, %sign3A_280 : i32
      %sign3A_282 = arith.extui %sign3A_281 : i1 to i32
      %sign3A_283 = arith.constant 0 : i32
      %sign3A_284 = arith.cmpi slt, %jit3A, %sign3A_283 : i32
      %sign3A_285 = arith.extui %sign3A_284 : i1 to i32
      %sign3A_286 = arith.subi %sign3A_282, %sign3A_285 : i32
      %ne3A = arith.cmpi ne, %sign3A_279, %sign3A_286 : i32
      %rem3A = arith.remsi %add3A_258, %jit3A : i32
      %ne3A_287 = arith.constant 0 : i32
      %ne3A_288 = arith.cmpi ne, %rem3A, %ne3A_287 : i32
      %and3A = arith.andi %ne3A, %ne3A_288 : i1
      %sub3A = arith.constant 1 : i32
      %sub3A_289 = arith.subi %div3A, %sub3A : i32
      %select_n3A = arith.select %and3A, %sub3A_289, %div3A : i32
      %mul3A_290 = arith.constant 128 : i32
      %mul3A_291 = arith.muli %select_n3A, %mul3A_290 : i32
      %add3A_292 = arith.addi %mul3A_273, %mul3A_291 : i32
      %jit3A_293 = arith.constant 2 : i32
      %eq3A = arith.constant 0 : i32
      %eq3A_294 = arith.cmpi eq, %jit3A_293, %eq3A : i32
      %jit3A_295 = arith.constant 1 : i32
      %select_n3A_296 = arith.select %eq3A_294, %jit3A_295, %jit3A_293 : i32
      %rem3A_297 = arith.remsi %add3A_258, %select_n3A_296 : i32
      %ne3A_298 = arith.constant 0 : i32
      %ne3A_299 = arith.cmpi ne, %rem3A_297, %ne3A_298 : i32
      %lt3A = arith.constant 0 : i32
      %lt3A_300 = arith.cmpi slt, %rem3A_297, %lt3A : i32
      %lt3A_301 = arith.constant 0 : i32
      %lt3A_302 = arith.cmpi slt, %select_n3A_296, %lt3A_301 : i32
      %ne3A_303 = arith.xori %lt3A_300, %lt3A_302 : i1
      %and3A_304 = arith.andi %ne3A_303, %ne3A_299 : i1
      %add3A_305 = arith.addi %rem3A_297, %select_n3A_296 : i32
      %select_n3A_306 = arith.select %and3A_304, %add3A_305, %rem3A_297 : i32
      %mul3A_307 = arith.constant 64 : i32
      %mul3A_308 = arith.muli %select_n3A_306, %mul3A_307 : i32
      %dma_start3A_309 = arith.constant 0 : i32
      %dma_start3A_310 = arith.constant 0 : i32
      %dma_start3A_311 = arith.constant 0 : i32
      %dma_start3A_312 = tpu.memref_slice %arg6[%dma_start3A_309, %dma_start3A_310, %dma_start3A_311] : memref<8x128x64xf32, #tpu.memory_space<vmem>> -> memref<1x128x64xf32, #tpu.memory_space<vmem>>
      %dma_start3A_313 = tpu.memref_squeeze %dma_start3A_312 : memref<1x128x64xf32, #tpu.memory_space<vmem>> -> memref<128x64xf32, #tpu.memory_space<vmem>>
      %dma_start3A_314 = tpu.memref_slice %arg4[%add3A_292, %mul3A_308] : memref<409600x128xf32, #tpu.memory_space<hbm>> -> memref<128x64xf32, #tpu.memory_space<hbm>>
      %dma_start3A_315 = tpu.memref_slice %arg4[%add3A_292, %mul3A_308] : memref<409600x128xf32, #tpu.memory_space<hbm>> -> memref<128x64xf32, #tpu.memory_space<hbm>>
      %dma_start3A_316 = arith.constant 0 : i32
      %dma_start3A_317 = arith.constant 0 : i32
      %dma_start3A_318 = tpu.memref_slice %arg6[%dma_start3A_309, %dma_start3A_316, %dma_start3A_317] : memref<8x128x64xf32, #tpu.memory_space<vmem>> -> memref<1x128x64xf32, #tpu.memory_space<vmem>>
      %dma_start3A_319 = tpu.memref_squeeze %dma_start3A_318 : memref<1x128x64xf32, #tpu.memory_space<vmem>> -> memref<128x64xf32, #tpu.memory_space<vmem>>
      tpu.enqueue_dma source(%dma_start3A_319 : memref<128x64xf32, #tpu.memory_space<vmem>>) target(%dma_start3A_315 : memref<128x64xf32, #tpu.memory_space<hbm>>) target_semaphore(%arg15 : memref<!tpu.dma_semaphore, #tpu.memory_space<semaphore_mem>>)
      %mul3A_320 = arith.constant 8 : i32
      %mul3A_321 = arith.muli %scan3A_254, %mul3A_320 : i32
      %add3A_322 = arith.constant 1 : i32
      %add3A_323 = arith.addi %mul3A_321, %add3A_322 : i32
      %dma_wait3A_324 = arith.constant 1 : i32
      %dma_wait3A_325 = arith.constant 0 : i32
      %dma_wait3A_326 = arith.constant 0 : i32
      %dma_wait3A_327 = tpu.memref_slice %arg6[%dma_wait3A_324, %dma_wait3A_325, %dma_wait3A_326] : memref<8x128x64xf32, #tpu.memory_space<vmem>> -> memref<1x128x64xf32, #tpu.memory_space<vmem>>
      %dma_wait3A_328 = tpu.memref_squeeze %dma_wait3A_327 : memref<1x128x64xf32, #tpu.memory_space<vmem>> -> memref<128x64xf32, #tpu.memory_space<vmem>>
      %dma_wait3A_329 = arith.constant 0 : i32
      %dma_wait3A_330 = tpu.memref_slice %arg5[%add3A_323, %dma_wait3A_329] : memref<200x128xi32, #tpu.memory_space<vmem>> -> memref<1x128xi32, #tpu.memory_space<vmem>>
      %dma_wait3A_331 = tpu.memref_squeeze %dma_wait3A_330 : memref<1x128xi32, #tpu.memory_space<vmem>> -> memref<128xi32, #tpu.memory_space<vmem>>
      %dma_wait3A_332 = arith.constant 0 : i32
      %dma_wait3A_333 = arith.constant 0 : i32
      %dma_wait3A_334 = tpu.memref_slice %arg3[%dma_wait3A_332, %dma_wait3A_333] : memref<1000000x64xf32, #tpu.memory_space<hbm>> -> memref<1000000x64xf32, #tpu.memory_space<hbm>>
      tpu.wait_indirect_dma semaphore(%arg8 : memref<!tpu.dma_semaphore, #tpu.memory_space<semaphore_mem>>) src(%dma_wait3A_334 : memref<1000000x64xf32, #tpu.memory_space<hbm>>) dst(%dma_wait3A_328 : memref<128x64xf32, #tpu.memory_space<vmem>>)
      %mul3A_335 = arith.constant 100 : i32
      %mul3A_336 = arith.muli %add3A, %mul3A_335 : i32
      %mul3A_337 = arith.constant 128 : i32
      %mul3A_338 = arith.muli %mul3A_336, %mul3A_337 : i32
      %jit3A_339 = arith.constant 2 : i32
      %div3A_340 = arith.divsi %add3A_323, %jit3A_339 : i32
      %sign3A_341 = arith.constant 0 : i32
      %sign3A_342 = arith.cmpi sgt, %add3A_323, %sign3A_341 : i32
      %sign3A_343 = arith.extui %sign3A_342 : i1 to i32
      %sign3A_344 = arith.constant 0 : i32
      %sign3A_345 = arith.cmpi slt, %add3A_323, %sign3A_344 : i32
      %sign3A_346 = arith.extui %sign3A_345 : i1 to i32
      %sign3A_347 = arith.subi %sign3A_343, %sign3A_346 : i32
      %sign3A_348 = arith.constant 0 : i32
      %sign3A_349 = arith.cmpi sgt, %jit3A_339, %sign3A_348 : i32
      %sign3A_350 = arith.extui %sign3A_349 : i1 to i32
      %sign3A_351 = arith.constant 0 : i32
      %sign3A_352 = arith.cmpi slt, %jit3A_339, %sign3A_351 : i32
      %sign3A_353 = arith.extui %sign3A_352 : i1 to i32
      %sign3A_354 = arith.subi %sign3A_350, %sign3A_353 : i32
      %ne3A_355 = arith.cmpi ne, %sign3A_347, %sign3A_354 : i32
      %rem3A_356 = arith.remsi %add3A_323, %jit3A_339 : i32
      %ne3A_357 = arith.constant 0 : i32
      %ne3A_358 = arith.cmpi ne, %rem3A_356, %ne3A_357 : i32
      %and3A_359 = arith.andi %ne3A_355, %ne3A_358 : i1
      %sub3A_360 = arith.constant 1 : i32
      %sub3A_361 = arith.subi %div3A_340, %sub3A_360 : i32
      %select_n3A_362 = arith.select %and3A_359, %sub3A_361, %div3A_340 : i32
      %mul3A_363 = arith.constant 128 : i32
      %mul3A_364 = arith.muli %select_n3A_362, %mul3A_363 : i32
      %add3A_365 = arith.addi %mul3A_338, %mul3A_364 : i32
      %jit3A_366 = arith.constant 2 : i32
      %eq3A_367 = arith.constant 0 : i32
      %eq3A_368 = arith.cmpi eq, %jit3A_366, %eq3A_367 : i32
      %jit3A_369 = arith.constant 1 : i32
      %select_n3A_370 = arith.select %eq3A_368, %jit3A_369, %jit3A_366 : i32
      %rem3A_371 = arith.remsi %add3A_323, %select_n3A_370 : i32
      %ne3A_372 = arith.constant 0 : i32
      %ne3A_373 = arith.cmpi ne, %rem3A_371, %ne3A_372 : i32
      %lt3A_374 = arith.constant 0 : i32
      %lt3A_375 = arith.cmpi slt, %rem3A_371, %lt3A_374 : i32
      %lt3A_376 = arith.constant 0 : i32
      %lt3A_377 = arith.cmpi slt, %select_n3A_370, %lt3A_376 : i32
      %ne3A_378 = arith.xori %lt3A_375, %lt3A_377 : i1
      %and3A_379 = arith.andi %ne3A_378, %ne3A_373 : i1
      %add3A_380 = arith.addi %rem3A_371, %select_n3A_370 : i32
      %select_n3A_381 = arith.select %and3A_379, %add3A_380, %rem3A_371 : i32
      %mul3A_382 = arith.constant 64 : i32
      %mul3A_383 = arith.muli %select_n3A_381, %mul3A_382 : i32
      %dma_start3A_384 = arith.constant 1 : i32
      %dma_start3A_385 = arith.constant 0 : i32
      %dma_start3A_386 = arith.constant 0 : i32
      %dma_start3A_387 = tpu.memref_slice %arg6[%dma_start3A_384, %dma_start3A_385, %dma_start3A_386] : memref<8x128x64xf32, #tpu.memory_space<vmem>> -> memref<1x128x64xf32, #tpu.memory_space<vmem>>
      %dma_start3A_388 = tpu.memref_squeeze %dma_start3A_387 : memref<1x128x64xf32, #tpu.memory_space<vmem>> -> memref<128x64xf32, #tpu.memory_space<vmem>>
      %dma_start3A_389 = tpu.memref_slice %arg4[%add3A_365, %mul3A_383] : memref<409600x128xf32, #tpu.memory_space<hbm>> -> memref<128x64xf32, #tpu.memory_space<hbm>>
      %dma_start3A_390 = tpu.memref_slice %arg4[%add3A_365, %mul3A_383] : memref<409600x128xf32, #tpu.memory_space<hbm>> -> memref<128x64xf32, #tpu.memory_space<hbm>>
      %dma_start3A_391 = arith.constant 0 : i32
      %dma_start3A_392 = arith.constant 0 : i32
      %dma_start3A_393 = tpu.memref_slice %arg6[%dma_start3A_384, %dma_start3A_391, %dma_start3A_392] : memref<8x128x64xf32, #tpu.memory_space<vmem>> -> memref<1x128x64xf32, #tpu.memory_space<vmem>>
      %dma_start3A_394 = tpu.memref_squeeze %dma_start3A_393 : memref<1x128x64xf32, #tpu.memory_space<vmem>> -> memref<128x64xf32, #tpu.memory_space<vmem>>
      tpu.enqueue_dma source(%dma_start3A_394 : memref<128x64xf32, #tpu.memory_space<vmem>>) target(%dma_start3A_390 : memref<128x64xf32, #tpu.memory_space<hbm>>) target_semaphore(%arg16 : memref<!tpu.dma_semaphore, #tpu.memory_space<semaphore_mem>>)
      %mul3A_395 = arith.constant 8 : i32
      %mul3A_396 = arith.muli %scan3A_254, %mul3A_395 : i32
      %add3A_397 = arith.constant 2 : i32
      %add3A_398 = arith.addi %mul3A_396, %add3A_397 : i32
      %dma_wait3A_399 = arith.constant 2 : i32
      %dma_wait3A_400 = arith.constant 0 : i32
      %dma_wait3A_401 = arith.constant 0 : i32
      %dma_wait3A_402 = tpu.memref_slice %arg6[%dma_wait3A_399, %dma_wait3A_400, %dma_wait3A_401] : memref<8x128x64xf32, #tpu.memory_space<vmem>> -> memref<1x128x64xf32, #tpu.memory_space<vmem>>
      %dma_wait3A_403 = tpu.memref_squeeze %dma_wait3A_402 : memref<1x128x64xf32, #tpu.memory_space<vmem>> -> memref<128x64xf32, #tpu.memory_space<vmem>>
      %dma_wait3A_404 = arith.constant 0 : i32
      %dma_wait3A_405 = tpu.memref_slice %arg5[%add3A_398, %dma_wait3A_404] : memref<200x128xi32, #tpu.memory_space<vmem>> -> memref<1x128xi32, #tpu.memory_space<vmem>>
      %dma_wait3A_406 = tpu.memref_squeeze %dma_wait3A_405 : memref<1x128xi32, #tpu.memory_space<vmem>> -> memref<128xi32, #tpu.memory_space<vmem>>
      %dma_wait3A_407 = arith.constant 0 : i32
      %dma_wait3A_408 = arith.constant 0 : i32
      %dma_wait3A_409 = tpu.memref_slice %arg3[%dma_wait3A_407, %dma_wait3A_408] : memref<1000000x64xf32, #tpu.memory_space<hbm>> -> memref<1000000x64xf32, #tpu.memory_space<hbm>>
      tpu.wait_indirect_dma semaphore(%arg9 : memref<!tpu.dma_semaphore, #tpu.memory_space<semaphore_mem>>) src(%dma_wait3A_409 : memref<1000000x64xf32, #tpu.memory_space<hbm>>) dst(%dma_wait3A_403 : memref<128x64xf32, #tpu.memory_space<vmem>>)
      %mul3A_410 = arith.constant 100 : i32
      %mul3A_411 = arith.muli %add3A, %mul3A_410 : i32
      %mul3A_412 = arith.constant 128 : i32
      %mul3A_413 = arith.muli %mul3A_411, %mul3A_412 : i32
      %jit3A_414 = arith.constant 2 : i32
      %div3A_415 = arith.divsi %add3A_398, %jit3A_414 : i32
      %sign3A_416 = arith.constant 0 : i32
      %sign3A_417 = arith.cmpi sgt, %add3A_398, %sign3A_416 : i32
      %sign3A_418 = arith.extui %sign3A_417 : i1 to i32
      %sign3A_419 = arith.constant 0 : i32
      %sign3A_420 = arith.cmpi slt, %add3A_398, %sign3A_419 : i32
      %sign3A_421 = arith.extui %sign3A_420 : i1 to i32
      %sign3A_422 = arith.subi %sign3A_418, %sign3A_421 : i32
      %sign3A_423 = arith.constant 0 : i32
      %sign3A_424 = arith.cmpi sgt, %jit3A_414, %sign3A_423 : i32
      %sign3A_425 = arith.extui %sign3A_424 : i1 to i32
      %sign3A_426 = arith.constant 0 : i32
      %sign3A_427 = arith.cmpi slt, %jit3A_414, %sign3A_426 : i32
      %sign3A_428 = arith.extui %sign3A_427 : i1 to i32
      %sign3A_429 = arith.subi %sign3A_425, %sign3A_428 : i32
      %ne3A_430 = arith.cmpi ne, %sign3A_422, %sign3A_429 : i32
      %rem3A_431 = arith.remsi %add3A_398, %jit3A_414 : i32
      %ne3A_432 = arith.constant 0 : i32
      %ne3A_433 = arith.cmpi ne, %rem3A_431, %ne3A_432 : i32
      %and3A_434 = arith.andi %ne3A_430, %ne3A_433 : i1
      %sub3A_435 = arith.constant 1 : i32
      %sub3A_436 = arith.subi %div3A_415, %sub3A_435 : i32
      %select_n3A_437 = arith.select %and3A_434, %sub3A_436, %div3A_415 : i32
      %mul3A_438 = arith.constant 128 : i32
      %mul3A_439 = arith.muli %select_n3A_437, %mul3A_438 : i32
      %add3A_440 = arith.addi %mul3A_413, %mul3A_439 : i32
      %jit3A_441 = arith.constant 2 : i32
      %eq3A_442 = arith.constant 0 : i32
      %eq3A_443 = arith.cmpi eq, %jit3A_441, %eq3A_442 : i32
      %jit3A_444 = arith.constant 1 : i32
      %select_n3A_445 = arith.select %eq3A_443, %jit3A_444, %jit3A_441 : i32
      %rem3A_446 = arith.remsi %add3A_398, %select_n3A_445 : i32
      %ne3A_447 = arith.constant 0 : i32
      %ne3A_448 = arith.cmpi ne, %rem3A_446, %ne3A_447 : i32
      %lt3A_449 = arith.constant 0 : i32
      %lt3A_450 = arith.cmpi slt, %rem3A_446, %lt3A_449 : i32
      %lt3A_451 = arith.constant 0 : i32
      %lt3A_452 = arith.cmpi slt, %select_n3A_445, %lt3A_451 : i32
      %ne3A_453 = arith.xori %lt3A_450, %lt3A_452 : i1
      %and3A_454 = arith.andi %ne3A_453, %ne3A_448 : i1
      %add3A_455 = arith.addi %rem3A_446, %select_n3A_445 : i32
      %select_n3A_456 = arith.select %and3A_454, %add3A_455, %rem3A_446 : i32
      %mul3A_457 = arith.constant 64 : i32
      %mul3A_458 = arith.muli %select_n3A_456, %mul3A_457 : i32
      %dma_start3A_459 = arith.constant 2 : i32
      %dma_start3A_460 = arith.constant 0 : i32
      %dma_start3A_461 = arith.constant 0 : i32
      %dma_start3A_462 = tpu.memref_slice %arg6[%dma_start3A_459, %dma_start3A_460, %dma_start3A_461] : memref<8x128x64xf32, #tpu.memory_space<vmem>> -> memref<1x128x64xf32, #tpu.memory_space<vmem>>
      %dma_start3A_463 = tpu.memref_squeeze %dma_start3A_462 : memref<1x128x64xf32, #tpu.memory_space<vmem>> -> memref<128x64xf32, #tpu.memory_space<vmem>>
      %dma_start3A_464 = tpu.memref_slice %arg4[%add3A_440, %mul3A_458] : memref<409600x128xf32, #tpu.memory_space<hbm>> -> memref<128x64xf32, #tpu.memory_space<hbm>>
      %dma_start3A_465 = tpu.memref_slice %arg4[%add3A_440, %mul3A_458] : memref<409600x128xf32, #tpu.memory_space<hbm>> -> memref<128x64xf32, #tpu.memory_space<hbm>>
      %dma_start3A_466 = arith.constant 0 : i32
      %dma_start3A_467 = arith.constant 0 : i32
      %dma_start3A_468 = tpu.memref_slice %arg6[%dma_start3A_459, %dma_start3A_466, %dma_start3A_467] : memref<8x128x64xf32, #tpu.memory_space<vmem>> -> memref<1x128x64xf32, #tpu.memory_space<vmem>>
      %dma_start3A_469 = tpu.memref_squeeze %dma_start3A_468 : memref<1x128x64xf32, #tpu.memory_space<vmem>> -> memref<128x64xf32, #tpu.memory_space<vmem>>
      tpu.enqueue_dma source(%dma_start3A_469 : memref<128x64xf32, #tpu.memory_space<vmem>>) target(%dma_start3A_465 : memref<128x64xf32, #tpu.memory_space<hbm>>) target_semaphore(%arg17 : memref<!tpu.dma_semaphore, #tpu.memory_space<semaphore_mem>>)
      %mul3A_470 = arith.constant 8 : i32
      %mul3A_471 = arith.muli %scan3A_254, %mul3A_470 : i32
      %add3A_472 = arith.constant 3 : i32
      %add3A_473 = arith.addi %mul3A_471, %add3A_472 : i32
      %dma_wait3A_474 = arith.constant 3 : i32
      %dma_wait3A_475 = arith.constant 0 : i32
      %dma_wait3A_476 = arith.constant 0 : i32
      %dma_wait3A_477 = tpu.memref_slice %arg6[%dma_wait3A_474, %dma_wait3A_475, %dma_wait3A_476] : memref<8x128x64xf32, #tpu.memory_space<vmem>> -> memref<1x128x64xf32, #tpu.memory_space<vmem>>
      %dma_wait3A_478 = tpu.memref_squeeze %dma_wait3A_477 : memref<1x128x64xf32, #tpu.memory_space<vmem>> -> memref<128x64xf32, #tpu.memory_space<vmem>>
      %dma_wait3A_479 = arith.constant 0 : i32
      %dma_wait3A_480 = tpu.memref_slice %arg5[%add3A_473, %dma_wait3A_479] : memref<200x128xi32, #tpu.memory_space<vmem>> -> memref<1x128xi32, #tpu.memory_space<vmem>>
      %dma_wait3A_481 = tpu.memref_squeeze %dma_wait3A_480 : memref<1x128xi32, #tpu.memory_space<vmem>> -> memref<128xi32, #tpu.memory_space<vmem>>
      %dma_wait3A_482 = arith.constant 0 : i32
      %dma_wait3A_483 = arith.constant 0 : i32
      %dma_wait3A_484 = tpu.memref_slice %arg3[%dma_wait3A_482, %dma_wait3A_483] : memref<1000000x64xf32, #tpu.memory_space<hbm>> -> memref<1000000x64xf32, #tpu.memory_space<hbm>>
      tpu.wait_indirect_dma semaphore(%arg10 : memref<!tpu.dma_semaphore, #tpu.memory_space<semaphore_mem>>) src(%dma_wait3A_484 : memref<1000000x64xf32, #tpu.memory_space<hbm>>) dst(%dma_wait3A_478 : memref<128x64xf32, #tpu.memory_space<vmem>>)
      %mul3A_485 = arith.constant 100 : i32
      %mul3A_486 = arith.muli %add3A, %mul3A_485 : i32
      %mul3A_487 = arith.constant 128 : i32
      %mul3A_488 = arith.muli %mul3A_486, %mul3A_487 : i32
      %jit3A_489 = arith.constant 2 : i32
      %div3A_490 = arith.divsi %add3A_473, %jit3A_489 : i32
      %sign3A_491 = arith.constant 0 : i32
      %sign3A_492 = arith.cmpi sgt, %add3A_473, %sign3A_491 : i32
      %sign3A_493 = arith.extui %sign3A_492 : i1 to i32
      %sign3A_494 = arith.constant 0 : i32
      %sign3A_495 = arith.cmpi slt, %add3A_473, %sign3A_494 : i32
      %sign3A_496 = arith.extui %sign3A_495 : i1 to i32
      %sign3A_497 = arith.subi %sign3A_493, %sign3A_496 : i32
      %sign3A_498 = arith.constant 0 : i32
      %sign3A_499 = arith.cmpi sgt, %jit3A_489, %sign3A_498 : i32
      %sign3A_500 = arith.extui %sign3A_499 : i1 to i32
      %sign3A_501 = arith.constant 0 : i32
      %sign3A_502 = arith.cmpi slt, %jit3A_489, %sign3A_501 : i32
      %sign3A_503 = arith.extui %sign3A_502 : i1 to i32
      %sign3A_504 = arith.subi %sign3A_500, %sign3A_503 : i32
      %ne3A_505 = arith.cmpi ne, %sign3A_497, %sign3A_504 : i32
      %rem3A_506 = arith.remsi %add3A_473, %jit3A_489 : i32
      %ne3A_507 = arith.constant 0 : i32
      %ne3A_508 = arith.cmpi ne, %rem3A_506, %ne3A_507 : i32
      %and3A_509 = arith.andi %ne3A_505, %ne3A_508 : i1
      %sub3A_510 = arith.constant 1 : i32
      %sub3A_511 = arith.subi %div3A_490, %sub3A_510 : i32
      %select_n3A_512 = arith.select %and3A_509, %sub3A_511, %div3A_490 : i32
      %mul3A_513 = arith.constant 128 : i32
      %mul3A_514 = arith.muli %select_n3A_512, %mul3A_513 : i32
      %add3A_515 = arith.addi %mul3A_488, %mul3A_514 : i32
      %jit3A_516 = arith.constant 2 : i32
      %eq3A_517 = arith.constant 0 : i32
      %eq3A_518 = arith.cmpi eq, %jit3A_516, %eq3A_517 : i32
      %jit3A_519 = arith.constant 1 : i32
      %select_n3A_520 = arith.select %eq3A_518, %jit3A_519, %jit3A_516 : i32
      %rem3A_521 = arith.remsi %add3A_473, %select_n3A_520 : i32
      %ne3A_522 = arith.constant 0 : i32
      %ne3A_523 = arith.cmpi ne, %rem3A_521, %ne3A_522 : i32
      %lt3A_524 = arith.constant 0 : i32
      %lt3A_525 = arith.cmpi slt, %rem3A_521, %lt3A_524 : i32
      %lt3A_526 = arith.constant 0 : i32
      %lt3A_527 = arith.cmpi slt, %select_n3A_520, %lt3A_526 : i32
      %ne3A_528 = arith.xori %lt3A_525, %lt3A_527 : i1
      %and3A_529 = arith.andi %ne3A_528, %ne3A_523 : i1
      %add3A_530 = arith.addi %rem3A_521, %select_n3A_520 : i32
      %select_n3A_531 = arith.select %and3A_529, %add3A_530, %rem3A_521 : i32
      %mul3A_532 = arith.constant 64 : i32
      %mul3A_533 = arith.muli %select_n3A_531, %mul3A_532 : i32
      %dma_start3A_534 = arith.constant 3 : i32
      %dma_start3A_535 = arith.constant 0 : i32
      %dma_start3A_536 = arith.constant 0 : i32
      %dma_start3A_537 = tpu.memref_slice %arg6[%dma_start3A_534, %dma_start3A_535, %dma_start3A_536] : memref<8x128x64xf32, #tpu.memory_space<vmem>> -> memref<1x128x64xf32, #tpu.memory_space<vmem>>
      %dma_start3A_538 = tpu.memref_squeeze %dma_start3A_537 : memref<1x128x64xf32, #tpu.memory_space<vmem>> -> memref<128x64xf32, #tpu.memory_space<vmem>>
      %dma_start3A_539 = tpu.memref_slice %arg4[%add3A_515, %mul3A_533] : memref<409600x128xf32, #tpu.memory_space<hbm>> -> memref<128x64xf32, #tpu.memory_space<hbm>>
      %dma_start3A_540 = tpu.memref_slice %arg4[%add3A_515, %mul3A_533] : memref<409600x128xf32, #tpu.memory_space<hbm>> -> memref<128x64xf32, #tpu.memory_space<hbm>>
      %dma_start3A_541 = arith.constant 0 : i32
      %dma_start3A_542 = arith.constant 0 : i32
      %dma_start3A_543 = tpu.memref_slice %arg6[%dma_start3A_534, %dma_start3A_541, %dma_start3A_542] : memref<8x128x64xf32, #tpu.memory_space<vmem>> -> memref<1x128x64xf32, #tpu.memory_space<vmem>>
      %dma_start3A_544 = tpu.memref_squeeze %dma_start3A_543 : memref<1x128x64xf32, #tpu.memory_space<vmem>> -> memref<128x64xf32, #tpu.memory_space<vmem>>
      tpu.enqueue_dma source(%dma_start3A_544 : memref<128x64xf32, #tpu.memory_space<vmem>>) target(%dma_start3A_540 : memref<128x64xf32, #tpu.memory_space<hbm>>) target_semaphore(%arg18 : memref<!tpu.dma_semaphore, #tpu.memory_space<semaphore_mem>>)
      %mul3A_545 = arith.constant 8 : i32
      %mul3A_546 = arith.muli %scan3A_254, %mul3A_545 : i32
      %add3A_547 = arith.constant 4 : i32
      %add3A_548 = arith.addi %mul3A_546, %add3A_547 : i32
      %dma_wait3A_549 = arith.constant 4 : i32
      %dma_wait3A_550 = arith.constant 0 : i32
      %dma_wait3A_551 = arith.constant 0 : i32
      %dma_wait3A_552 = tpu.memref_slice %arg6[%dma_wait3A_549, %dma_wait3A_550, %dma_wait3A_551] : memref<8x128x64xf32, #tpu.memory_space<vmem>> -> memref<1x128x64xf32, #tpu.memory_space<vmem>>
      %dma_wait3A_553 = tpu.memref_squeeze %dma_wait3A_552 : memref<1x128x64xf32, #tpu.memory_space<vmem>> -> memref<128x64xf32, #tpu.memory_space<vmem>>
      %dma_wait3A_554 = arith.constant 0 : i32
      %dma_wait3A_555 = tpu.memref_slice %arg5[%add3A_548, %dma_wait3A_554] : memref<200x128xi32, #tpu.memory_space<vmem>> -> memref<1x128xi32, #tpu.memory_space<vmem>>
      %dma_wait3A_556 = tpu.memref_squeeze %dma_wait3A_555 : memref<1x128xi32, #tpu.memory_space<vmem>> -> memref<128xi32, #tpu.memory_space<vmem>>
      %dma_wait3A_557 = arith.constant 0 : i32
      %dma_wait3A_558 = arith.constant 0 : i32
      %dma_wait3A_559 = tpu.memref_slice %arg3[%dma_wait3A_557, %dma_wait3A_558] : memref<1000000x64xf32, #tpu.memory_space<hbm>> -> memref<1000000x64xf32, #tpu.memory_space<hbm>>
      tpu.wait_indirect_dma semaphore(%arg11 : memref<!tpu.dma_semaphore, #tpu.memory_space<semaphore_mem>>) src(%dma_wait3A_559 : memref<1000000x64xf32, #tpu.memory_space<hbm>>) dst(%dma_wait3A_553 : memref<128x64xf32, #tpu.memory_space<vmem>>)
      %mul3A_560 = arith.constant 100 : i32
      %mul3A_561 = arith.muli %add3A, %mul3A_560 : i32
      %mul3A_562 = arith.constant 128 : i32
      %mul3A_563 = arith.muli %mul3A_561, %mul3A_562 : i32
      %jit3A_564 = arith.constant 2 : i32
      %div3A_565 = arith.divsi %add3A_548, %jit3A_564 : i32
      %sign3A_566 = arith.constant 0 : i32
      %sign3A_567 = arith.cmpi sgt, %add3A_548, %sign3A_566 : i32
      %sign3A_568 = arith.extui %sign3A_567 : i1 to i32
      %sign3A_569 = arith.constant 0 : i32
      %sign3A_570 = arith.cmpi slt, %add3A_548, %sign3A_569 : i32
      %sign3A_571 = arith.extui %sign3A_570 : i1 to i32
      %sign3A_572 = arith.subi %sign3A_568, %sign3A_571 : i32
      %sign3A_573 = arith.constant 0 : i32
      %sign3A_574 = arith.cmpi sgt, %jit3A_564, %sign3A_573 : i32
      %sign3A_575 = arith.extui %sign3A_574 : i1 to i32
      %sign3A_576 = arith.constant 0 : i32
      %sign3A_577 = arith.cmpi slt, %jit3A_564, %sign3A_576 : i32
      %sign3A_578 = arith.extui %sign3A_577 : i1 to i32
      %sign3A_579 = arith.subi %sign3A_575, %sign3A_578 : i32
      %ne3A_580 = arith.cmpi ne, %sign3A_572, %sign3A_579 : i32
      %rem3A_581 = arith.remsi %add3A_548, %jit3A_564 : i32
      %ne3A_582 = arith.constant 0 : i32
      %ne3A_583 = arith.cmpi ne, %rem3A_581, %ne3A_582 : i32
      %and3A_584 = arith.andi %ne3A_580, %ne3A_583 : i1
      %sub3A_585 = arith.constant 1 : i32
      %sub3A_586 = arith.subi %div3A_565, %sub3A_585 : i32
      %select_n3A_587 = arith.select %and3A_584, %sub3A_586, %div3A_565 : i32
      %mul3A_588 = arith.constant 128 : i32
      %mul3A_589 = arith.muli %select_n3A_587, %mul3A_588 : i32
      %add3A_590 = arith.addi %mul3A_563, %mul3A_589 : i32
      %jit3A_591 = arith.constant 2 : i32
      %eq3A_592 = arith.constant 0 : i32
      %eq3A_593 = arith.cmpi eq, %jit3A_591, %eq3A_592 : i32
      %jit3A_594 = arith.constant 1 : i32
      %select_n3A_595 = arith.select %eq3A_593, %jit3A_594, %jit3A_591 : i32
      %rem3A_596 = arith.remsi %add3A_548, %select_n3A_595 : i32
      %ne3A_597 = arith.constant 0 : i32
      %ne3A_598 = arith.cmpi ne, %rem3A_596, %ne3A_597 : i32
      %lt3A_599 = arith.constant 0 : i32
      %lt3A_600 = arith.cmpi slt, %rem3A_596, %lt3A_599 : i32
      %lt3A_601 = arith.constant 0 : i32
      %lt3A_602 = arith.cmpi slt, %select_n3A_595, %lt3A_601 : i32
      %ne3A_603 = arith.xori %lt3A_600, %lt3A_602 : i1
      %and3A_604 = arith.andi %ne3A_603, %ne3A_598 : i1
      %add3A_605 = arith.addi %rem3A_596, %select_n3A_595 : i32
      %select_n3A_606 = arith.select %and3A_604, %add3A_605, %rem3A_596 : i32
      %mul3A_607 = arith.constant 64 : i32
      %mul3A_608 = arith.muli %select_n3A_606, %mul3A_607 : i32
      %dma_start3A_609 = arith.constant 4 : i32
      %dma_start3A_610 = arith.constant 0 : i32
      %dma_start3A_611 = arith.constant 0 : i32
      %dma_start3A_612 = tpu.memref_slice %arg6[%dma_start3A_609, %dma_start3A_610, %dma_start3A_611] : memref<8x128x64xf32, #tpu.memory_space<vmem>> -> memref<1x128x64xf32, #tpu.memory_space<vmem>>
      %dma_start3A_613 = tpu.memref_squeeze %dma_start3A_612 : memref<1x128x64xf32, #tpu.memory_space<vmem>> -> memref<128x64xf32, #tpu.memory_space<vmem>>
      %dma_start3A_614 = tpu.memref_slice %arg4[%add3A_590, %mul3A_608] : memref<409600x128xf32, #tpu.memory_space<hbm>> -> memref<128x64xf32, #tpu.memory_space<hbm>>
      %dma_start3A_615 = tpu.memref_slice %arg4[%add3A_590, %mul3A_608] : memref<409600x128xf32, #tpu.memory_space<hbm>> -> memref<128x64xf32, #tpu.memory_space<hbm>>
      %dma_start3A_616 = arith.constant 0 : i32
      %dma_start3A_617 = arith.constant 0 : i32
      %dma_start3A_618 = tpu.memref_slice %arg6[%dma_start3A_609, %dma_start3A_616, %dma_start3A_617] : memref<8x128x64xf32, #tpu.memory_space<vmem>> -> memref<1x128x64xf32, #tpu.memory_space<vmem>>
      %dma_start3A_619 = tpu.memref_squeeze %dma_start3A_618 : memref<1x128x64xf32, #tpu.memory_space<vmem>> -> memref<128x64xf32, #tpu.memory_space<vmem>>
      tpu.enqueue_dma source(%dma_start3A_619 : memref<128x64xf32, #tpu.memory_space<vmem>>) target(%dma_start3A_615 : memref<128x64xf32, #tpu.memory_space<hbm>>) target_semaphore(%arg19 : memref<!tpu.dma_semaphore, #tpu.memory_space<semaphore_mem>>)
      %mul3A_620 = arith.constant 8 : i32
      %mul3A_621 = arith.muli %scan3A_254, %mul3A_620 : i32
      %add3A_622 = arith.constant 5 : i32
      %add3A_623 = arith.addi %mul3A_621, %add3A_622 : i32
      %dma_wait3A_624 = arith.constant 5 : i32
      %dma_wait3A_625 = arith.constant 0 : i32
      %dma_wait3A_626 = arith.constant 0 : i32
      %dma_wait3A_627 = tpu.memref_slice %arg6[%dma_wait3A_624, %dma_wait3A_625, %dma_wait3A_626] : memref<8x128x64xf32, #tpu.memory_space<vmem>> -> memref<1x128x64xf32, #tpu.memory_space<vmem>>
      %dma_wait3A_628 = tpu.memref_squeeze %dma_wait3A_627 : memref<1x128x64xf32, #tpu.memory_space<vmem>> -> memref<128x64xf32, #tpu.memory_space<vmem>>
      %dma_wait3A_629 = arith.constant 0 : i32
      %dma_wait3A_630 = tpu.memref_slice %arg5[%add3A_623, %dma_wait3A_629] : memref<200x128xi32, #tpu.memory_space<vmem>> -> memref<1x128xi32, #tpu.memory_space<vmem>>
      %dma_wait3A_631 = tpu.memref_squeeze %dma_wait3A_630 : memref<1x128xi32, #tpu.memory_space<vmem>> -> memref<128xi32, #tpu.memory_space<vmem>>
      %dma_wait3A_632 = arith.constant 0 : i32
      %dma_wait3A_633 = arith.constant 0 : i32
      %dma_wait3A_634 = tpu.memref_slice %arg3[%dma_wait3A_632, %dma_wait3A_633] : memref<1000000x64xf32, #tpu.memory_space<hbm>> -> memref<1000000x64xf32, #tpu.memory_space<hbm>>
      tpu.wait_indirect_dma semaphore(%arg12 : memref<!tpu.dma_semaphore, #tpu.memory_space<semaphore_mem>>) src(%dma_wait3A_634 : memref<1000000x64xf32, #tpu.memory_space<hbm>>) dst(%dma_wait3A_628 : memref<128x64xf32, #tpu.memory_space<vmem>>)
      %mul3A_635 = arith.constant 100 : i32
      %mul3A_636 = arith.muli %add3A, %mul3A_635 : i32
      %mul3A_637 = arith.constant 128 : i32
      %mul3A_638 = arith.muli %mul3A_636, %mul3A_637 : i32
      %jit3A_639 = arith.constant 2 : i32
      %div3A_640 = arith.divsi %add3A_623, %jit3A_639 : i32
      %sign3A_641 = arith.constant 0 : i32
      %sign3A_642 = arith.cmpi sgt, %add3A_623, %sign3A_641 : i32
      %sign3A_643 = arith.extui %sign3A_642 : i1 to i32
      %sign3A_644 = arith.constant 0 : i32
      %sign3A_645 = arith.cmpi slt, %add3A_623, %sign3A_644 : i32
      %sign3A_646 = arith.extui %sign3A_645 : i1 to i32
      %sign3A_647 = arith.subi %sign3A_643, %sign3A_646 : i32
      %sign3A_648 = arith.constant 0 : i32
      %sign3A_649 = arith.cmpi sgt, %jit3A_639, %sign3A_648 : i32
      %sign3A_650 = arith.extui %sign3A_649 : i1 to i32
      %sign3A_651 = arith.constant 0 : i32
      %sign3A_652 = arith.cmpi slt, %jit3A_639, %sign3A_651 : i32
      %sign3A_653 = arith.extui %sign3A_652 : i1 to i32
      %sign3A_654 = arith.subi %sign3A_650, %sign3A_653 : i32
      %ne3A_655 = arith.cmpi ne, %sign3A_647, %sign3A_654 : i32
      %rem3A_656 = arith.remsi %add3A_623, %jit3A_639 : i32
      %ne3A_657 = arith.constant 0 : i32
      %ne3A_658 = arith.cmpi ne, %rem3A_656, %ne3A_657 : i32
      %and3A_659 = arith.andi %ne3A_655, %ne3A_658 : i1
      %sub3A_660 = arith.constant 1 : i32
      %sub3A_661 = arith.subi %div3A_640, %sub3A_660 : i32
      %select_n3A_662 = arith.select %and3A_659, %sub3A_661, %div3A_640 : i32
      %mul3A_663 = arith.constant 128 : i32
      %mul3A_664 = arith.muli %select_n3A_662, %mul3A_663 : i32
      %add3A_665 = arith.addi %mul3A_638, %mul3A_664 : i32
      %jit3A_666 = arith.constant 2 : i32
      %eq3A_667 = arith.constant 0 : i32
      %eq3A_668 = arith.cmpi eq, %jit3A_666, %eq3A_667 : i32
      %jit3A_669 = arith.constant 1 : i32
      %select_n3A_670 = arith.select %eq3A_668, %jit3A_669, %jit3A_666 : i32
      %rem3A_671 = arith.remsi %add3A_623, %select_n3A_670 : i32
      %ne3A_672 = arith.constant 0 : i32
      %ne3A_673 = arith.cmpi ne, %rem3A_671, %ne3A_672 : i32
      %lt3A_674 = arith.constant 0 : i32
      %lt3A_675 = arith.cmpi slt, %rem3A_671, %lt3A_674 : i32
      %lt3A_676 = arith.constant 0 : i32
      %lt3A_677 = arith.cmpi slt, %select_n3A_670, %lt3A_676 : i32
      %ne3A_678 = arith.xori %lt3A_675, %lt3A_677 : i1
      %and3A_679 = arith.andi %ne3A_678, %ne3A_673 : i1
      %add3A_680 = arith.addi %rem3A_671, %select_n3A_670 : i32
      %select_n3A_681 = arith.select %and3A_679, %add3A_680, %rem3A_671 : i32
      %mul3A_682 = arith.constant 64 : i32
      %mul3A_683 = arith.muli %select_n3A_681, %mul3A_682 : i32
      %dma_start3A_684 = arith.constant 5 : i32
      %dma_start3A_685 = arith.constant 0 : i32
      %dma_start3A_686 = arith.constant 0 : i32
      %dma_start3A_687 = tpu.memref_slice %arg6[%dma_start3A_684, %dma_start3A_685, %dma_start3A_686] : memref<8x128x64xf32, #tpu.memory_space<vmem>> -> memref<1x128x64xf32, #tpu.memory_space<vmem>>
      %dma_start3A_688 = tpu.memref_squeeze %dma_start3A_687 : memref<1x128x64xf32, #tpu.memory_space<vmem>> -> memref<128x64xf32, #tpu.memory_space<vmem>>
      %dma_start3A_689 = tpu.memref_slice %arg4[%add3A_665, %mul3A_683] : memref<409600x128xf32, #tpu.memory_space<hbm>> -> memref<128x64xf32, #tpu.memory_space<hbm>>
      %dma_start3A_690 = tpu.memref_slice %arg4[%add3A_665, %mul3A_683] : memref<409600x128xf32, #tpu.memory_space<hbm>> -> memref<128x64xf32, #tpu.memory_space<hbm>>
      %dma_start3A_691 = arith.constant 0 : i32
      %dma_start3A_692 = arith.constant 0 : i32
      %dma_start3A_693 = tpu.memref_slice %arg6[%dma_start3A_684, %dma_start3A_691, %dma_start3A_692] : memref<8x128x64xf32, #tpu.memory_space<vmem>> -> memref<1x128x64xf32, #tpu.memory_space<vmem>>
      %dma_start3A_694 = tpu.memref_squeeze %dma_start3A_693 : memref<1x128x64xf32, #tpu.memory_space<vmem>> -> memref<128x64xf32, #tpu.memory_space<vmem>>
      tpu.enqueue_dma source(%dma_start3A_694 : memref<128x64xf32, #tpu.memory_space<vmem>>) target(%dma_start3A_690 : memref<128x64xf32, #tpu.memory_space<hbm>>) target_semaphore(%arg20 : memref<!tpu.dma_semaphore, #tpu.memory_space<semaphore_mem>>)
      %mul3A_695 = arith.constant 8 : i32
      %mul3A_696 = arith.muli %scan3A_254, %mul3A_695 : i32
      %add3A_697 = arith.constant 6 : i32
      %add3A_698 = arith.addi %mul3A_696, %add3A_697 : i32
      %dma_wait3A_699 = arith.constant 6 : i32
      %dma_wait3A_700 = arith.constant 0 : i32
      %dma_wait3A_701 = arith.constant 0 : i32
      %dma_wait3A_702 = tpu.memref_slice %arg6[%dma_wait3A_699, %dma_wait3A_700, %dma_wait3A_701] : memref<8x128x64xf32, #tpu.memory_space<vmem>> -> memref<1x128x64xf32, #tpu.memory_space<vmem>>
      %dma_wait3A_703 = tpu.memref_squeeze %dma_wait3A_702 : memref<1x128x64xf32, #tpu.memory_space<vmem>> -> memref<128x64xf32, #tpu.memory_space<vmem>>
      %dma_wait3A_704 = arith.constant 0 : i32
      %dma_wait3A_705 = tpu.memref_slice %arg5[%add3A_698, %dma_wait3A_704] : memref<200x128xi32, #tpu.memory_space<vmem>> -> memref<1x128xi32, #tpu.memory_space<vmem>>
      %dma_wait3A_706 = tpu.memref_squeeze %dma_wait3A_705 : memref<1x128xi32, #tpu.memory_space<vmem>> -> memref<128xi32, #tpu.memory_space<vmem>>
      %dma_wait3A_707 = arith.constant 0 : i32
      %dma_wait3A_708 = arith.constant 0 : i32
      %dma_wait3A_709 = tpu.memref_slice %arg3[%dma_wait3A_707, %dma_wait3A_708] : memref<1000000x64xf32, #tpu.memory_space<hbm>> -> memref<1000000x64xf32, #tpu.memory_space<hbm>>
      tpu.wait_indirect_dma semaphore(%arg13 : memref<!tpu.dma_semaphore, #tpu.memory_space<semaphore_mem>>) src(%dma_wait3A_709 : memref<1000000x64xf32, #tpu.memory_space<hbm>>) dst(%dma_wait3A_703 : memref<128x64xf32, #tpu.memory_space<vmem>>)
      %mul3A_710 = arith.constant 100 : i32
      %mul3A_711 = arith.muli %add3A, %mul3A_710 : i32
      %mul3A_712 = arith.constant 128 : i32
      %mul3A_713 = arith.muli %mul3A_711, %mul3A_712 : i32
      %jit3A_714 = arith.constant 2 : i32
      %div3A_715 = arith.divsi %add3A_698, %jit3A_714 : i32
      %sign3A_716 = arith.constant 0 : i32
      %sign3A_717 = arith.cmpi sgt, %add3A_698, %sign3A_716 : i32
      %sign3A_718 = arith.extui %sign3A_717 : i1 to i32
      %sign3A_719 = arith.constant 0 : i32
      %sign3A_720 = arith.cmpi slt, %add3A_698, %sign3A_719 : i32
      %sign3A_721 = arith.extui %sign3A_720 : i1 to i32
      %sign3A_722 = arith.subi %sign3A_718, %sign3A_721 : i32
      %sign3A_723 = arith.constant 0 : i32
      %sign3A_724 = arith.cmpi sgt, %jit3A_714, %sign3A_723 : i32
      %sign3A_725 = arith.extui %sign3A_724 : i1 to i32
      %sign3A_726 = arith.constant 0 : i32
      %sign3A_727 = arith.cmpi slt, %jit3A_714, %sign3A_726 : i32
      %sign3A_728 = arith.extui %sign3A_727 : i1 to i32
      %sign3A_729 = arith.subi %sign3A_725, %sign3A_728 : i32
      %ne3A_730 = arith.cmpi ne, %sign3A_722, %sign3A_729 : i32
      %rem3A_731 = arith.remsi %add3A_698, %jit3A_714 : i32
      %ne3A_732 = arith.constant 0 : i32
      %ne3A_733 = arith.cmpi ne, %rem3A_731, %ne3A_732 : i32
      %and3A_734 = arith.andi %ne3A_730, %ne3A_733 : i1
      %sub3A_735 = arith.constant 1 : i32
      %sub3A_736 = arith.subi %div3A_715, %sub3A_735 : i32
      %select_n3A_737 = arith.select %and3A_734, %sub3A_736, %div3A_715 : i32
      %mul3A_738 = arith.constant 128 : i32
      %mul3A_739 = arith.muli %select_n3A_737, %mul3A_738 : i32
      %add3A_740 = arith.addi %mul3A_713, %mul3A_739 : i32
      %jit3A_741 = arith.constant 2 : i32
      %eq3A_742 = arith.constant 0 : i32
      %eq3A_743 = arith.cmpi eq, %jit3A_741, %eq3A_742 : i32
      %jit3A_744 = arith.constant 1 : i32
      %select_n3A_745 = arith.select %eq3A_743, %jit3A_744, %jit3A_741 : i32
      %rem3A_746 = arith.remsi %add3A_698, %select_n3A_745 : i32
      %ne3A_747 = arith.constant 0 : i32
      %ne3A_748 = arith.cmpi ne, %rem3A_746, %ne3A_747 : i32
      %lt3A_749 = arith.constant 0 : i32
      %lt3A_750 = arith.cmpi slt, %rem3A_746, %lt3A_749 : i32
      %lt3A_751 = arith.constant 0 : i32
      %lt3A_752 = arith.cmpi slt, %select_n3A_745, %lt3A_751 : i32
      %ne3A_753 = arith.xori %lt3A_750, %lt3A_752 : i1
      %and3A_754 = arith.andi %ne3A_753, %ne3A_748 : i1
      %add3A_755 = arith.addi %rem3A_746, %select_n3A_745 : i32
      %select_n3A_756 = arith.select %and3A_754, %add3A_755, %rem3A_746 : i32
      %mul3A_757 = arith.constant 64 : i32
      %mul3A_758 = arith.muli %select_n3A_756, %mul3A_757 : i32
      %dma_start3A_759 = arith.constant 6 : i32
      %dma_start3A_760 = arith.constant 0 : i32
      %dma_start3A_761 = arith.constant 0 : i32
      %dma_start3A_762 = tpu.memref_slice %arg6[%dma_start3A_759, %dma_start3A_760, %dma_start3A_761] : memref<8x128x64xf32, #tpu.memory_space<vmem>> -> memref<1x128x64xf32, #tpu.memory_space<vmem>>
      %dma_start3A_763 = tpu.memref_squeeze %dma_start3A_762 : memref<1x128x64xf32, #tpu.memory_space<vmem>> -> memref<128x64xf32, #tpu.memory_space<vmem>>
      %dma_start3A_764 = tpu.memref_slice %arg4[%add3A_740, %mul3A_758] : memref<409600x128xf32, #tpu.memory_space<hbm>> -> memref<128x64xf32, #tpu.memory_space<hbm>>
      %dma_start3A_765 = tpu.memref_slice %arg4[%add3A_740, %mul3A_758] : memref<409600x128xf32, #tpu.memory_space<hbm>> -> memref<128x64xf32, #tpu.memory_space<hbm>>
      %dma_start3A_766 = arith.constant 0 : i32
      %dma_start3A_767 = arith.constant 0 : i32
      %dma_start3A_768 = tpu.memref_slice %arg6[%dma_start3A_759, %dma_start3A_766, %dma_start3A_767] : memref<8x128x64xf32, #tpu.memory_space<vmem>> -> memref<1x128x64xf32, #tpu.memory_space<vmem>>
      %dma_start3A_769 = tpu.memref_squeeze %dma_start3A_768 : memref<1x128x64xf32, #tpu.memory_space<vmem>> -> memref<128x64xf32, #tpu.memory_space<vmem>>
      tpu.enqueue_dma source(%dma_start3A_769 : memref<128x64xf32, #tpu.memory_space<vmem>>) target(%dma_start3A_765 : memref<128x64xf32, #tpu.memory_space<hbm>>) target_semaphore(%arg21 : memref<!tpu.dma_semaphore, #tpu.memory_space<semaphore_mem>>)
      %mul3A_770 = arith.constant 8 : i32
      %mul3A_771 = arith.muli %scan3A_254, %mul3A_770 : i32
      %add3A_772 = arith.constant 7 : i32
      %add3A_773 = arith.addi %mul3A_771, %add3A_772 : i32
      %dma_wait3A_774 = arith.constant 7 : i32
      %dma_wait3A_775 = arith.constant 0 : i32
      %dma_wait3A_776 = arith.constant 0 : i32
      %dma_wait3A_777 = tpu.memref_slice %arg6[%dma_wait3A_774, %dma_wait3A_775, %dma_wait3A_776] : memref<8x128x64xf32, #tpu.memory_space<vmem>> -> memref<1x128x64xf32, #tpu.memory_space<vmem>>
      %dma_wait3A_778 = tpu.memref_squeeze %dma_wait3A_777 : memref<1x128x64xf32, #tpu.memory_space<vmem>> -> memref<128x64xf32, #tpu.memory_space<vmem>>
      %dma_wait3A_779 = arith.constant 0 : i32
      %dma_wait3A_780 = tpu.memref_slice %arg5[%add3A_773, %dma_wait3A_779] : memref<200x128xi32, #tpu.memory_space<vmem>> -> memref<1x128xi32, #tpu.memory_space<vmem>>
      %dma_wait3A_781 = tpu.memref_squeeze %dma_wait3A_780 : memref<1x128xi32, #tpu.memory_space<vmem>> -> memref<128xi32, #tpu.memory_space<vmem>>
      %dma_wait3A_782 = arith.constant 0 : i32
      %dma_wait3A_783 = arith.constant 0 : i32
      %dma_wait3A_784 = tpu.memref_slice %arg3[%dma_wait3A_782, %dma_wait3A_783] : memref<1000000x64xf32, #tpu.memory_space<hbm>> -> memref<1000000x64xf32, #tpu.memory_space<hbm>>
      tpu.wait_indirect_dma semaphore(%arg14 : memref<!tpu.dma_semaphore, #tpu.memory_space<semaphore_mem>>) src(%dma_wait3A_784 : memref<1000000x64xf32, #tpu.memory_space<hbm>>) dst(%dma_wait3A_778 : memref<128x64xf32, #tpu.memory_space<vmem>>)
      %mul3A_785 = arith.constant 100 : i32
      %mul3A_786 = arith.muli %add3A, %mul3A_785 : i32
      %mul3A_787 = arith.constant 128 : i32
      %mul3A_788 = arith.muli %mul3A_786, %mul3A_787 : i32
      %jit3A_789 = arith.constant 2 : i32
      %div3A_790 = arith.divsi %add3A_773, %jit3A_789 : i32
      %sign3A_791 = arith.constant 0 : i32
      %sign3A_792 = arith.cmpi sgt, %add3A_773, %sign3A_791 : i32
      %sign3A_793 = arith.extui %sign3A_792 : i1 to i32
      %sign3A_794 = arith.constant 0 : i32
      %sign3A_795 = arith.cmpi slt, %add3A_773, %sign3A_794 : i32
      %sign3A_796 = arith.extui %sign3A_795 : i1 to i32
      %sign3A_797 = arith.subi %sign3A_793, %sign3A_796 : i32
      %sign3A_798 = arith.constant 0 : i32
      %sign3A_799 = arith.cmpi sgt, %jit3A_789, %sign3A_798 : i32
      %sign3A_800 = arith.extui %sign3A_799 : i1 to i32
      %sign3A_801 = arith.constant 0 : i32
      %sign3A_802 = arith.cmpi slt, %jit3A_789, %sign3A_801 : i32
      %sign3A_803 = arith.extui %sign3A_802 : i1 to i32
      %sign3A_804 = arith.subi %sign3A_800, %sign3A_803 : i32
      %ne3A_805 = arith.cmpi ne, %sign3A_797, %sign3A_804 : i32
      %rem3A_806 = arith.remsi %add3A_773, %jit3A_789 : i32
      %ne3A_807 = arith.constant 0 : i32
      %ne3A_808 = arith.cmpi ne, %rem3A_806, %ne3A_807 : i32
      %and3A_809 = arith.andi %ne3A_805, %ne3A_808 : i1
      %sub3A_810 = arith.constant 1 : i32
      %sub3A_811 = arith.subi %div3A_790, %sub3A_810 : i32
      %select_n3A_812 = arith.select %and3A_809, %sub3A_811, %div3A_790 : i32
      %mul3A_813 = arith.constant 128 : i32
      %mul3A_814 = arith.muli %select_n3A_812, %mul3A_813 : i32
      %add3A_815 = arith.addi %mul3A_788, %mul3A_814 : i32
      %jit3A_816 = arith.constant 2 : i32
      %eq3A_817 = arith.constant 0 : i32
      %eq3A_818 = arith.cmpi eq, %jit3A_816, %eq3A_817 : i32
      %jit3A_819 = arith.constant 1 : i32
      %select_n3A_820 = arith.select %eq3A_818, %jit3A_819, %jit3A_816 : i32
      %rem3A_821 = arith.remsi %add3A_773, %select_n3A_820 : i32
      %ne3A_822 = arith.constant 0 : i32
      %ne3A_823 = arith.cmpi ne, %rem3A_821, %ne3A_822 : i32
      %lt3A_824 = arith.constant 0 : i32
      %lt3A_825 = arith.cmpi slt, %rem3A_821, %lt3A_824 : i32
      %lt3A_826 = arith.constant 0 : i32
      %lt3A_827 = arith.cmpi slt, %select_n3A_820, %lt3A_826 : i32
      %ne3A_828 = arith.xori %lt3A_825, %lt3A_827 : i1
      %and3A_829 = arith.andi %ne3A_828, %ne3A_823 : i1
      %add3A_830 = arith.addi %rem3A_821, %select_n3A_820 : i32
      %select_n3A_831 = arith.select %and3A_829, %add3A_830, %rem3A_821 : i32
      %mul3A_832 = arith.constant 64 : i32
      %mul3A_833 = arith.muli %select_n3A_831, %mul3A_832 : i32
      %dma_start3A_834 = arith.constant 7 : i32
      %dma_start3A_835 = arith.constant 0 : i32
      %dma_start3A_836 = arith.constant 0 : i32
      %dma_start3A_837 = tpu.memref_slice %arg6[%dma_start3A_834, %dma_start3A_835, %dma_start3A_836] : memref<8x128x64xf32, #tpu.memory_space<vmem>> -> memref<1x128x64xf32, #tpu.memory_space<vmem>>
      %dma_start3A_838 = tpu.memref_squeeze %dma_start3A_837 : memref<1x128x64xf32, #tpu.memory_space<vmem>> -> memref<128x64xf32, #tpu.memory_space<vmem>>
      %dma_start3A_839 = tpu.memref_slice %arg4[%add3A_815, %mul3A_833] : memref<409600x128xf32, #tpu.memory_space<hbm>> -> memref<128x64xf32, #tpu.memory_space<hbm>>
      %dma_start3A_840 = tpu.memref_slice %arg4[%add3A_815, %mul3A_833] : memref<409600x128xf32, #tpu.memory_space<hbm>> -> memref<128x64xf32, #tpu.memory_space<hbm>>
      %dma_start3A_841 = arith.constant 0 : i32
      %dma_start3A_842 = arith.constant 0 : i32
      %dma_start3A_843 = tpu.memref_slice %arg6[%dma_start3A_834, %dma_start3A_841, %dma_start3A_842] : memref<8x128x64xf32, #tpu.memory_space<vmem>> -> memref<1x128x64xf32, #tpu.memory_space<vmem>>
      %dma_start3A_844 = tpu.memref_squeeze %dma_start3A_843 : memref<1x128x64xf32, #tpu.memory_space<vmem>> -> memref<128x64xf32, #tpu.memory_space<vmem>>
      tpu.enqueue_dma source(%dma_start3A_844 : memref<128x64xf32, #tpu.memory_space<vmem>>) target(%dma_start3A_840 : memref<128x64xf32, #tpu.memory_space<hbm>>) target_semaphore(%arg22 : memref<!tpu.dma_semaphore, #tpu.memory_space<semaphore_mem>>)
      %lt3A_845 = arith.constant 24 : i32
      %lt3A_846 = arith.cmpi slt, %scan3A_254, %lt3A_845 : i32
      %convert_element_type3A = arith.extui %lt3A_846 : i1 to i32
      %cond3A = arith.constant 0 : i32
      %cond3A_847 = arith.cmpi ne, %convert_element_type3A, %cond3A : i32
      scf.if %cond3A_847 {
        %mul3A_848 = arith.constant 8 : i32
        %mul3A_849 = arith.muli %scan3A_254, %mul3A_848 : i32
        %add3A_850 = arith.constant 0 : i32
        %add3A_851 = arith.addi %mul3A_849, %add3A_850 : i32
        %mul3A_852 = arith.constant 100 : i32
        %mul3A_853 = arith.muli %add3A, %mul3A_852 : i32
        %mul3A_854 = arith.constant 128 : i32
        %mul3A_855 = arith.muli %mul3A_853, %mul3A_854 : i32
        %jit3A_856 = arith.constant 2 : i32
        %div3A_857 = arith.divsi %add3A_851, %jit3A_856 : i32
        %sign3A_858 = arith.constant 0 : i32
        %sign3A_859 = arith.cmpi sgt, %add3A_851, %sign3A_858 : i32
        %sign3A_860 = arith.extui %sign3A_859 : i1 to i32
        %sign3A_861 = arith.constant 0 : i32
        %sign3A_862 = arith.cmpi slt, %add3A_851, %sign3A_861 : i32
        %sign3A_863 = arith.extui %sign3A_862 : i1 to i32
        %sign3A_864 = arith.subi %sign3A_860, %sign3A_863 : i32
        %sign3A_865 = arith.constant 0 : i32
        %sign3A_866 = arith.cmpi sgt, %jit3A_856, %sign3A_865 : i32
        %sign3A_867 = arith.extui %sign3A_866 : i1 to i32
        %sign3A_868 = arith.constant 0 : i32
        %sign3A_869 = arith.cmpi slt, %jit3A_856, %sign3A_868 : i32
        %sign3A_870 = arith.extui %sign3A_869 : i1 to i32
        %sign3A_871 = arith.subi %sign3A_867, %sign3A_870 : i32
        %ne3A_872 = arith.cmpi ne, %sign3A_864, %sign3A_871 : i32
        %rem3A_873 = arith.remsi %add3A_851, %jit3A_856 : i32
        %ne3A_874 = arith.constant 0 : i32
        %ne3A_875 = arith.cmpi ne, %rem3A_873, %ne3A_874 : i32
        %and3A_876 = arith.andi %ne3A_872, %ne3A_875 : i1
        %sub3A_877 = arith.constant 1 : i32
        %sub3A_878 = arith.subi %div3A_857, %sub3A_877 : i32
        %select_n3A_879 = arith.select %and3A_876, %sub3A_878, %div3A_857 : i32
        %mul3A_880 = arith.constant 128 : i32
        %mul3A_881 = arith.muli %select_n3A_879, %mul3A_880 : i32
        %add3A_882 = arith.addi %mul3A_855, %mul3A_881 : i32
        %jit3A_883 = arith.constant 2 : i32
        %eq3A_884 = arith.constant 0 : i32
        %eq3A_885 = arith.cmpi eq, %jit3A_883, %eq3A_884 : i32
        %jit3A_886 = arith.constant 1 : i32
        %select_n3A_887 = arith.select %eq3A_885, %jit3A_886, %jit3A_883 : i32
        %rem3A_888 = arith.remsi %add3A_851, %select_n3A_887 : i32
        %ne3A_889 = arith.constant 0 : i32
        %ne3A_890 = arith.cmpi ne, %rem3A_888, %ne3A_889 : i32
        %lt3A_891 = arith.constant 0 : i32
        %lt3A_892 = arith.cmpi slt, %rem3A_888, %lt3A_891 : i32
        %lt3A_893 = arith.constant 0 : i32
        %lt3A_894 = arith.cmpi slt, %select_n3A_887, %lt3A_893 : i32
        %ne3A_895 = arith.xori %lt3A_892, %lt3A_894 : i1
        %and3A_896 = arith.andi %ne3A_895, %ne3A_890 : i1
        %add3A_897 = arith.addi %rem3A_888, %select_n3A_887 : i32
        %select_n3A_898 = arith.select %and3A_896, %add3A_897, %rem3A_888 : i32
        %mul3A_899 = arith.constant 64 : i32
        %mul3A_900 = arith.muli %select_n3A_898, %mul3A_899 : i32
        %dma_wait3A_901 = arith.constant 0 : i32
        %dma_wait3A_902 = arith.constant 0 : i32
        %dma_wait3A_903 = arith.constant 0 : i32
        %dma_wait3A_904 = tpu.memref_slice %arg6[%dma_wait3A_901, %dma_wait3A_902, %dma_wait3A_903] : memref<8x128x64xf32, #tpu.memory_space<vmem>> -> memref<1x128x64xf32, #tpu.memory_space<vmem>>
        %dma_wait3A_905 = tpu.memref_squeeze %dma_wait3A_904 : memref<1x128x64xf32, #tpu.memory_space<vmem>> -> memref<128x64xf32, #tpu.memory_space<vmem>>
        %dma_wait3A_906 = tpu.memref_slice %arg4[%add3A_882, %mul3A_900] : memref<409600x128xf32, #tpu.memory_space<hbm>> -> memref<128x64xf32, #tpu.memory_space<hbm>>
        %dma_wait3A_907 = tpu.memref_slice %arg4[%add3A_882, %mul3A_900] : memref<409600x128xf32, #tpu.memory_space<hbm>> -> memref<128x64xf32, #tpu.memory_space<hbm>>
        %dma_wait3A_908 = arith.constant 0 : i32
        %dma_wait3A_909 = arith.constant 0 : i32
        %dma_wait3A_910 = tpu.memref_slice %arg6[%dma_wait3A_901, %dma_wait3A_908, %dma_wait3A_909] : memref<8x128x64xf32, #tpu.memory_space<vmem>> -> memref<1x128x64xf32, #tpu.memory_space<vmem>>
        %dma_wait3A_911 = tpu.memref_squeeze %dma_wait3A_910 : memref<1x128x64xf32, #tpu.memory_space<vmem>> -> memref<128x64xf32, #tpu.memory_space<vmem>>
        tpu.wait_dma2 semaphore(%arg15 : memref<!tpu.dma_semaphore, #tpu.memory_space<semaphore_mem>>) src(%dma_wait3A_911 : memref<128x64xf32, #tpu.memory_space<vmem>>) dst(%dma_wait3A_907 : memref<128x64xf32, #tpu.memory_space<hbm>>)
        %add3A_912 = arith.constant 8 : i32
        %add3A_913 = arith.addi %add3A_851, %add3A_912 : i32
        %dma_start3A_914 = arith.constant 0 : i32
        %dma_start3A_915 = arith.constant 0 : i32
        %dma_start3A_916 = arith.constant 0 : i32
        %dma_start3A_917 = tpu.memref_slice %arg6[%dma_start3A_914, %dma_start3A_915, %dma_start3A_916] : memref<8x128x64xf32, #tpu.memory_space<vmem>> -> memref<1x128x64xf32, #tpu.memory_space<vmem>>
        %dma_start3A_918 = tpu.memref_squeeze %dma_start3A_917 : memref<1x128x64xf32, #tpu.memory_space<vmem>> -> memref<128x64xf32, #tpu.memory_space<vmem>>
        %dma_start3A_919 = arith.constant 0 : i32
        %dma_start3A_920 = tpu.memref_slice %arg5[%add3A_913, %dma_start3A_919] : memref<200x128xi32, #tpu.memory_space<vmem>> -> memref<1x128xi32, #tpu.memory_space<vmem>>
        %dma_start3A_921 = tpu.memref_squeeze %dma_start3A_920 : memref<1x128xi32, #tpu.memory_space<vmem>> -> memref<128xi32, #tpu.memory_space<vmem>>
        %dma_start3A_922 = arith.constant 0 : i32
        %dma_start3A_923 = arith.constant 0 : i32
        %dma_start3A_924 = tpu.memref_slice %arg3[%dma_start3A_922, %dma_start3A_923] : memref<1000000x64xf32, #tpu.memory_space<hbm>> -> memref<1000000x64xf32, #tpu.memory_space<hbm>>
        tpu.enqueue_indirect_dma source(%dma_start3A_924 : memref<1000000x64xf32, #tpu.memory_space<hbm>>) target(%dma_start3A_918 : memref<128x64xf32, #tpu.memory_space<vmem>>) offsets(%dma_start3A_921 : memref<128xi32, #tpu.memory_space<vmem>>) semaphore(%arg7 : memref<!tpu.dma_semaphore, #tpu.memory_space<semaphore_mem>>)
        %mul3A_925 = arith.constant 8 : i32
        %mul3A_926 = arith.muli %scan3A_254, %mul3A_925 : i32
        %add3A_927 = arith.constant 1 : i32
        %add3A_928 = arith.addi %mul3A_926, %add3A_927 : i32
        %mul3A_929 = arith.constant 100 : i32
        %mul3A_930 = arith.muli %add3A, %mul3A_929 : i32
        %mul3A_931 = arith.constant 128 : i32
        %mul3A_932 = arith.muli %mul3A_930, %mul3A_931 : i32
        %jit3A_933 = arith.constant 2 : i32
        %div3A_934 = arith.divsi %add3A_928, %jit3A_933 : i32
        %sign3A_935 = arith.constant 0 : i32
        %sign3A_936 = arith.cmpi sgt, %add3A_928, %sign3A_935 : i32
        %sign3A_937 = arith.extui %sign3A_936 : i1 to i32
        %sign3A_938 = arith.constant 0 : i32
        %sign3A_939 = arith.cmpi slt, %add3A_928, %sign3A_938 : i32
        %sign3A_940 = arith.extui %sign3A_939 : i1 to i32
        %sign3A_941 = arith.subi %sign3A_937, %sign3A_940 : i32
        %sign3A_942 = arith.constant 0 : i32
        %sign3A_943 = arith.cmpi sgt, %jit3A_933, %sign3A_942 : i32
        %sign3A_944 = arith.extui %sign3A_943 : i1 to i32
        %sign3A_945 = arith.constant 0 : i32
        %sign3A_946 = arith.cmpi slt, %jit3A_933, %sign3A_945 : i32
        %sign3A_947 = arith.extui %sign3A_946 : i1 to i32
        %sign3A_948 = arith.subi %sign3A_944, %sign3A_947 : i32
        %ne3A_949 = arith.cmpi ne, %sign3A_941, %sign3A_948 : i32
        %rem3A_950 = arith.remsi %add3A_928, %jit3A_933 : i32
        %ne3A_951 = arith.constant 0 : i32
        %ne3A_952 = arith.cmpi ne, %rem3A_950, %ne3A_951 : i32
        %and3A_953 = arith.andi %ne3A_949, %ne3A_952 : i1
        %sub3A_954 = arith.constant 1 : i32
        %sub3A_955 = arith.subi %div3A_934, %sub3A_954 : i32
        %select_n3A_956 = arith.select %and3A_953, %sub3A_955, %div3A_934 : i32
        %mul3A_957 = arith.constant 128 : i32
        %mul3A_958 = arith.muli %select_n3A_956, %mul3A_957 : i32
        %add3A_959 = arith.addi %mul3A_932, %mul3A_958 : i32
        %jit3A_960 = arith.constant 2 : i32
        %eq3A_961 = arith.constant 0 : i32
        %eq3A_962 = arith.cmpi eq, %jit3A_960, %eq3A_961 : i32
        %jit3A_963 = arith.constant 1 : i32
        %select_n3A_964 = arith.select %eq3A_962, %jit3A_963, %jit3A_960 : i32
        %rem3A_965 = arith.remsi %add3A_928, %select_n3A_964 : i32
        %ne3A_966 = arith.constant 0 : i32
        %ne3A_967 = arith.cmpi ne, %rem3A_965, %ne3A_966 : i32
        %lt3A_968 = arith.constant 0 : i32
        %lt3A_969 = arith.cmpi slt, %rem3A_965, %lt3A_968 : i32
        %lt3A_970 = arith.constant 0 : i32
        %lt3A_971 = arith.cmpi slt, %select_n3A_964, %lt3A_970 : i32
        %ne3A_972 = arith.xori %lt3A_969, %lt3A_971 : i1
        %and3A_973 = arith.andi %ne3A_972, %ne3A_967 : i1
        %add3A_974 = arith.addi %rem3A_965, %select_n3A_964 : i32
        %select_n3A_975 = arith.select %and3A_973, %add3A_974, %rem3A_965 : i32
        %mul3A_976 = arith.constant 64 : i32
        %mul3A_977 = arith.muli %select_n3A_975, %mul3A_976 : i32
        %dma_wait3A_978 = arith.constant 1 : i32
        %dma_wait3A_979 = arith.constant 0 : i32
        %dma_wait3A_980 = arith.constant 0 : i32
        %dma_wait3A_981 = tpu.memref_slice %arg6[%dma_wait3A_978, %dma_wait3A_979, %dma_wait3A_980] : memref<8x128x64xf32, #tpu.memory_space<vmem>> -> memref<1x128x64xf32, #tpu.memory_space<vmem>>
        %dma_wait3A_982 = tpu.memref_squeeze %dma_wait3A_981 : memref<1x128x64xf32, #tpu.memory_space<vmem>> -> memref<128x64xf32, #tpu.memory_space<vmem>>
        %dma_wait3A_983 = tpu.memref_slice %arg4[%add3A_959, %mul3A_977] : memref<409600x128xf32, #tpu.memory_space<hbm>> -> memref<128x64xf32, #tpu.memory_space<hbm>>
        %dma_wait3A_984 = tpu.memref_slice %arg4[%add3A_959, %mul3A_977] : memref<409600x128xf32, #tpu.memory_space<hbm>> -> memref<128x64xf32, #tpu.memory_space<hbm>>
        %dma_wait3A_985 = arith.constant 0 : i32
        %dma_wait3A_986 = arith.constant 0 : i32
        %dma_wait3A_987 = tpu.memref_slice %arg6[%dma_wait3A_978, %dma_wait3A_985, %dma_wait3A_986] : memref<8x128x64xf32, #tpu.memory_space<vmem>> -> memref<1x128x64xf32, #tpu.memory_space<vmem>>
        %dma_wait3A_988 = tpu.memref_squeeze %dma_wait3A_987 : memref<1x128x64xf32, #tpu.memory_space<vmem>> -> memref<128x64xf32, #tpu.memory_space<vmem>>
        tpu.wait_dma2 semaphore(%arg16 : memref<!tpu.dma_semaphore, #tpu.memory_space<semaphore_mem>>) src(%dma_wait3A_988 : memref<128x64xf32, #tpu.memory_space<vmem>>) dst(%dma_wait3A_984 : memref<128x64xf32, #tpu.memory_space<hbm>>)
        %add3A_989 = arith.constant 8 : i32
        %add3A_990 = arith.addi %add3A_928, %add3A_989 : i32
        %dma_start3A_991 = arith.constant 1 : i32
        %dma_start3A_992 = arith.constant 0 : i32
        %dma_start3A_993 = arith.constant 0 : i32
        %dma_start3A_994 = tpu.memref_slice %arg6[%dma_start3A_991, %dma_start3A_992, %dma_start3A_993] : memref<8x128x64xf32, #tpu.memory_space<vmem>> -> memref<1x128x64xf32, #tpu.memory_space<vmem>>
        %dma_start3A_995 = tpu.memref_squeeze %dma_start3A_994 : memref<1x128x64xf32, #tpu.memory_space<vmem>> -> memref<128x64xf32, #tpu.memory_space<vmem>>
        %dma_start3A_996 = arith.constant 0 : i32
        %dma_start3A_997 = tpu.memref_slice %arg5[%add3A_990, %dma_start3A_996] : memref<200x128xi32, #tpu.memory_space<vmem>> -> memref<1x128xi32, #tpu.memory_space<vmem>>
        %dma_start3A_998 = tpu.memref_squeeze %dma_start3A_997 : memref<1x128xi32, #tpu.memory_space<vmem>> -> memref<128xi32, #tpu.memory_space<vmem>>
        %dma_start3A_999 = arith.constant 0 : i32
        %dma_start3A_1000 = arith.constant 0 : i32
        %dma_start3A_1001 = tpu.memref_slice %arg3[%dma_start3A_999, %dma_start3A_1000] : memref<1000000x64xf32, #tpu.memory_space<hbm>> -> memref<1000000x64xf32, #tpu.memory_space<hbm>>
        tpu.enqueue_indirect_dma source(%dma_start3A_1001 : memref<1000000x64xf32, #tpu.memory_space<hbm>>) target(%dma_start3A_995 : memref<128x64xf32, #tpu.memory_space<vmem>>) offsets(%dma_start3A_998 : memref<128xi32, #tpu.memory_space<vmem>>) semaphore(%arg8 : memref<!tpu.dma_semaphore, #tpu.memory_space<semaphore_mem>>)
        %mul3A_1002 = arith.constant 8 : i32
        %mul3A_1003 = arith.muli %scan3A_254, %mul3A_1002 : i32
        %add3A_1004 = arith.constant 2 : i32
        %add3A_1005 = arith.addi %mul3A_1003, %add3A_1004 : i32
        %mul3A_1006 = arith.constant 100 : i32
        %mul3A_1007 = arith.muli %add3A, %mul3A_1006 : i32
        %mul3A_1008 = arith.constant 128 : i32
        %mul3A_1009 = arith.muli %mul3A_1007, %mul3A_1008 : i32
        %jit3A_1010 = arith.constant 2 : i32
        %div3A_1011 = arith.divsi %add3A_1005, %jit3A_1010 : i32
        %sign3A_1012 = arith.constant 0 : i32
        %sign3A_1013 = arith.cmpi sgt, %add3A_1005, %sign3A_1012 : i32
        %sign3A_1014 = arith.extui %sign3A_1013 : i1 to i32
        %sign3A_1015 = arith.constant 0 : i32
        %sign3A_1016 = arith.cmpi slt, %add3A_1005, %sign3A_1015 : i32
        %sign3A_1017 = arith.extui %sign3A_1016 : i1 to i32
        %sign3A_1018 = arith.subi %sign3A_1014, %sign3A_1017 : i32
        %sign3A_1019 = arith.constant 0 : i32
        %sign3A_1020 = arith.cmpi sgt, %jit3A_1010, %sign3A_1019 : i32
        %sign3A_1021 = arith.extui %sign3A_1020 : i1 to i32
        %sign3A_1022 = arith.constant 0 : i32
        %sign3A_1023 = arith.cmpi slt, %jit3A_1010, %sign3A_1022 : i32
        %sign3A_1024 = arith.extui %sign3A_1023 : i1 to i32
        %sign3A_1025 = arith.subi %sign3A_1021, %sign3A_1024 : i32
        %ne3A_1026 = arith.cmpi ne, %sign3A_1018, %sign3A_1025 : i32
        %rem3A_1027 = arith.remsi %add3A_1005, %jit3A_1010 : i32
        %ne3A_1028 = arith.constant 0 : i32
        %ne3A_1029 = arith.cmpi ne, %rem3A_1027, %ne3A_1028 : i32
        %and3A_1030 = arith.andi %ne3A_1026, %ne3A_1029 : i1
        %sub3A_1031 = arith.constant 1 : i32
        %sub3A_1032 = arith.subi %div3A_1011, %sub3A_1031 : i32
        %select_n3A_1033 = arith.select %and3A_1030, %sub3A_1032, %div3A_1011 : i32
        %mul3A_1034 = arith.constant 128 : i32
        %mul3A_1035 = arith.muli %select_n3A_1033, %mul3A_1034 : i32
        %add3A_1036 = arith.addi %mul3A_1009, %mul3A_1035 : i32
        %jit3A_1037 = arith.constant 2 : i32
        %eq3A_1038 = arith.constant 0 : i32
        %eq3A_1039 = arith.cmpi eq, %jit3A_1037, %eq3A_1038 : i32
        %jit3A_1040 = arith.constant 1 : i32
        %select_n3A_1041 = arith.select %eq3A_1039, %jit3A_1040, %jit3A_1037 : i32
        %rem3A_1042 = arith.remsi %add3A_1005, %select_n3A_1041 : i32
        %ne3A_1043 = arith.constant 0 : i32
        %ne3A_1044 = arith.cmpi ne, %rem3A_1042, %ne3A_1043 : i32
        %lt3A_1045 = arith.constant 0 : i32
        %lt3A_1046 = arith.cmpi slt, %rem3A_1042, %lt3A_1045 : i32
        %lt3A_1047 = arith.constant 0 : i32
        %lt3A_1048 = arith.cmpi slt, %select_n3A_1041, %lt3A_1047 : i32
        %ne3A_1049 = arith.xori %lt3A_1046, %lt3A_1048 : i1
        %and3A_1050 = arith.andi %ne3A_1049, %ne3A_1044 : i1
        %add3A_1051 = arith.addi %rem3A_1042, %select_n3A_1041 : i32
        %select_n3A_1052 = arith.select %and3A_1050, %add3A_1051, %rem3A_1042 : i32
        %mul3A_1053 = arith.constant 64 : i32
        %mul3A_1054 = arith.muli %select_n3A_1052, %mul3A_1053 : i32
        %dma_wait3A_1055 = arith.constant 2 : i32
        %dma_wait3A_1056 = arith.constant 0 : i32
        %dma_wait3A_1057 = arith.constant 0 : i32
        %dma_wait3A_1058 = tpu.memref_slice %arg6[%dma_wait3A_1055, %dma_wait3A_1056, %dma_wait3A_1057] : memref<8x128x64xf32, #tpu.memory_space<vmem>> -> memref<1x128x64xf32, #tpu.memory_space<vmem>>
        %dma_wait3A_1059 = tpu.memref_squeeze %dma_wait3A_1058 : memref<1x128x64xf32, #tpu.memory_space<vmem>> -> memref<128x64xf32, #tpu.memory_space<vmem>>
        %dma_wait3A_1060 = tpu.memref_slice %arg4[%add3A_1036, %mul3A_1054] : memref<409600x128xf32, #tpu.memory_space<hbm>> -> memref<128x64xf32, #tpu.memory_space<hbm>>
        %dma_wait3A_1061 = tpu.memref_slice %arg4[%add3A_1036, %mul3A_1054] : memref<409600x128xf32, #tpu.memory_space<hbm>> -> memref<128x64xf32, #tpu.memory_space<hbm>>
        %dma_wait3A_1062 = arith.constant 0 : i32
        %dma_wait3A_1063 = arith.constant 0 : i32
        %dma_wait3A_1064 = tpu.memref_slice %arg6[%dma_wait3A_1055, %dma_wait3A_1062, %dma_wait3A_1063] : memref<8x128x64xf32, #tpu.memory_space<vmem>> -> memref<1x128x64xf32, #tpu.memory_space<vmem>>
        %dma_wait3A_1065 = tpu.memref_squeeze %dma_wait3A_1064 : memref<1x128x64xf32, #tpu.memory_space<vmem>> -> memref<128x64xf32, #tpu.memory_space<vmem>>
        tpu.wait_dma2 semaphore(%arg17 : memref<!tpu.dma_semaphore, #tpu.memory_space<semaphore_mem>>) src(%dma_wait3A_1065 : memref<128x64xf32, #tpu.memory_space<vmem>>) dst(%dma_wait3A_1061 : memref<128x64xf32, #tpu.memory_space<hbm>>)
        %add3A_1066 = arith.constant 8 : i32
        %add3A_1067 = arith.addi %add3A_1005, %add3A_1066 : i32
        %dma_start3A_1068 = arith.constant 2 : i32
        %dma_start3A_1069 = arith.constant 0 : i32
        %dma_start3A_1070 = arith.constant 0 : i32
        %dma_start3A_1071 = tpu.memref_slice %arg6[%dma_start3A_1068, %dma_start3A_1069, %dma_start3A_1070] : memref<8x128x64xf32, #tpu.memory_space<vmem>> -> memref<1x128x64xf32, #tpu.memory_space<vmem>>
        %dma_start3A_1072 = tpu.memref_squeeze %dma_start3A_1071 : memref<1x128x64xf32, #tpu.memory_space<vmem>> -> memref<128x64xf32, #tpu.memory_space<vmem>>
        %dma_start3A_1073 = arith.constant 0 : i32
        %dma_start3A_1074 = tpu.memref_slice %arg5[%add3A_1067, %dma_start3A_1073] : memref<200x128xi32, #tpu.memory_space<vmem>> -> memref<1x128xi32, #tpu.memory_space<vmem>>
        %dma_start3A_1075 = tpu.memref_squeeze %dma_start3A_1074 : memref<1x128xi32, #tpu.memory_space<vmem>> -> memref<128xi32, #tpu.memory_space<vmem>>
        %dma_start3A_1076 = arith.constant 0 : i32
        %dma_start3A_1077 = arith.constant 0 : i32
        %dma_start3A_1078 = tpu.memref_slice %arg3[%dma_start3A_1076, %dma_start3A_1077] : memref<1000000x64xf32, #tpu.memory_space<hbm>> -> memref<1000000x64xf32, #tpu.memory_space<hbm>>
        tpu.enqueue_indirect_dma source(%dma_start3A_1078 : memref<1000000x64xf32, #tpu.memory_space<hbm>>) target(%dma_start3A_1072 : memref<128x64xf32, #tpu.memory_space<vmem>>) offsets(%dma_start3A_1075 : memref<128xi32, #tpu.memory_space<vmem>>) semaphore(%arg9 : memref<!tpu.dma_semaphore, #tpu.memory_space<semaphore_mem>>)
        %mul3A_1079 = arith.constant 8 : i32
        %mul3A_1080 = arith.muli %scan3A_254, %mul3A_1079 : i32
        %add3A_1081 = arith.constant 3 : i32
        %add3A_1082 = arith.addi %mul3A_1080, %add3A_1081 : i32
        %mul3A_1083 = arith.constant 100 : i32
        %mul3A_1084 = arith.muli %add3A, %mul3A_1083 : i32
        %mul3A_1085 = arith.constant 128 : i32
        %mul3A_1086 = arith.muli %mul3A_1084, %mul3A_1085 : i32
        %jit3A_1087 = arith.constant 2 : i32
        %div3A_1088 = arith.divsi %add3A_1082, %jit3A_1087 : i32
        %sign3A_1089 = arith.constant 0 : i32
        %sign3A_1090 = arith.cmpi sgt, %add3A_1082, %sign3A_1089 : i32
        %sign3A_1091 = arith.extui %sign3A_1090 : i1 to i32
        %sign3A_1092 = arith.constant 0 : i32
        %sign3A_1093 = arith.cmpi slt, %add3A_1082, %sign3A_1092 : i32
        %sign3A_1094 = arith.extui %sign3A_1093 : i1 to i32
        %sign3A_1095 = arith.subi %sign3A_1091, %sign3A_1094 : i32
        %sign3A_1096 = arith.constant 0 : i32
        %sign3A_1097 = arith.cmpi sgt, %jit3A_1087, %sign3A_1096 : i32
        %sign3A_1098 = arith.extui %sign3A_1097 : i1 to i32
        %sign3A_1099 = arith.constant 0 : i32
        %sign3A_1100 = arith.cmpi slt, %jit3A_1087, %sign3A_1099 : i32
        %sign3A_1101 = arith.extui %sign3A_1100 : i1 to i32
        %sign3A_1102 = arith.subi %sign3A_1098, %sign3A_1101 : i32
        %ne3A_1103 = arith.cmpi ne, %sign3A_1095, %sign3A_1102 : i32
        %rem3A_1104 = arith.remsi %add3A_1082, %jit3A_1087 : i32
        %ne3A_1105 = arith.constant 0 : i32
        %ne3A_1106 = arith.cmpi ne, %rem3A_1104, %ne3A_1105 : i32
        %and3A_1107 = arith.andi %ne3A_1103, %ne3A_1106 : i1
        %sub3A_1108 = arith.constant 1 : i32
        %sub3A_1109 = arith.subi %div3A_1088, %sub3A_1108 : i32
        %select_n3A_1110 = arith.select %and3A_1107, %sub3A_1109, %div3A_1088 : i32
        %mul3A_1111 = arith.constant 128 : i32
        %mul3A_1112 = arith.muli %select_n3A_1110, %mul3A_1111 : i32
        %add3A_1113 = arith.addi %mul3A_1086, %mul3A_1112 : i32
        %jit3A_1114 = arith.constant 2 : i32
        %eq3A_1115 = arith.constant 0 : i32
        %eq3A_1116 = arith.cmpi eq, %jit3A_1114, %eq3A_1115 : i32
        %jit3A_1117 = arith.constant 1 : i32
        %select_n3A_1118 = arith.select %eq3A_1116, %jit3A_1117, %jit3A_1114 : i32
        %rem3A_1119 = arith.remsi %add3A_1082, %select_n3A_1118 : i32
        %ne3A_1120 = arith.constant 0 : i32
        %ne3A_1121 = arith.cmpi ne, %rem3A_1119, %ne3A_1120 : i32
        %lt3A_1122 = arith.constant 0 : i32
        %lt3A_1123 = arith.cmpi slt, %rem3A_1119, %lt3A_1122 : i32
        %lt3A_1124 = arith.constant 0 : i32
        %lt3A_1125 = arith.cmpi slt, %select_n3A_1118, %lt3A_1124 : i32
        %ne3A_1126 = arith.xori %lt3A_1123, %lt3A_1125 : i1
        %and3A_1127 = arith.andi %ne3A_1126, %ne3A_1121 : i1
        %add3A_1128 = arith.addi %rem3A_1119, %select_n3A_1118 : i32
        %select_n3A_1129 = arith.select %and3A_1127, %add3A_1128, %rem3A_1119 : i32
        %mul3A_1130 = arith.constant 64 : i32
        %mul3A_1131 = arith.muli %select_n3A_1129, %mul3A_1130 : i32
        %dma_wait3A_1132 = arith.constant 3 : i32
        %dma_wait3A_1133 = arith.constant 0 : i32
        %dma_wait3A_1134 = arith.constant 0 : i32
        %dma_wait3A_1135 = tpu.memref_slice %arg6[%dma_wait3A_1132, %dma_wait3A_1133, %dma_wait3A_1134] : memref<8x128x64xf32, #tpu.memory_space<vmem>> -> memref<1x128x64xf32, #tpu.memory_space<vmem>>
        %dma_wait3A_1136 = tpu.memref_squeeze %dma_wait3A_1135 : memref<1x128x64xf32, #tpu.memory_space<vmem>> -> memref<128x64xf32, #tpu.memory_space<vmem>>
        %dma_wait3A_1137 = tpu.memref_slice %arg4[%add3A_1113, %mul3A_1131] : memref<409600x128xf32, #tpu.memory_space<hbm>> -> memref<128x64xf32, #tpu.memory_space<hbm>>
        %dma_wait3A_1138 = tpu.memref_slice %arg4[%add3A_1113, %mul3A_1131] : memref<409600x128xf32, #tpu.memory_space<hbm>> -> memref<128x64xf32, #tpu.memory_space<hbm>>
        %dma_wait3A_1139 = arith.constant 0 : i32
        %dma_wait3A_1140 = arith.constant 0 : i32
        %dma_wait3A_1141 = tpu.memref_slice %arg6[%dma_wait3A_1132, %dma_wait3A_1139, %dma_wait3A_1140] : memref<8x128x64xf32, #tpu.memory_space<vmem>> -> memref<1x128x64xf32, #tpu.memory_space<vmem>>
        %dma_wait3A_1142 = tpu.memref_squeeze %dma_wait3A_1141 : memref<1x128x64xf32, #tpu.memory_space<vmem>> -> memref<128x64xf32, #tpu.memory_space<vmem>>
        tpu.wait_dma2 semaphore(%arg18 : memref<!tpu.dma_semaphore, #tpu.memory_space<semaphore_mem>>) src(%dma_wait3A_1142 : memref<128x64xf32, #tpu.memory_space<vmem>>) dst(%dma_wait3A_1138 : memref<128x64xf32, #tpu.memory_space<hbm>>)
        %add3A_1143 = arith.constant 8 : i32
        %add3A_1144 = arith.addi %add3A_1082, %add3A_1143 : i32
        %dma_start3A_1145 = arith.constant 3 : i32
        %dma_start3A_1146 = arith.constant 0 : i32
        %dma_start3A_1147 = arith.constant 0 : i32
        %dma_start3A_1148 = tpu.memref_slice %arg6[%dma_start3A_1145, %dma_start3A_1146, %dma_start3A_1147] : memref<8x128x64xf32, #tpu.memory_space<vmem>> -> memref<1x128x64xf32, #tpu.memory_space<vmem>>
        %dma_start3A_1149 = tpu.memref_squeeze %dma_start3A_1148 : memref<1x128x64xf32, #tpu.memory_space<vmem>> -> memref<128x64xf32, #tpu.memory_space<vmem>>
        %dma_start3A_1150 = arith.constant 0 : i32
        %dma_start3A_1151 = tpu.memref_slice %arg5[%add3A_1144, %dma_start3A_1150] : memref<200x128xi32, #tpu.memory_space<vmem>> -> memref<1x128xi32, #tpu.memory_space<vmem>>
        %dma_start3A_1152 = tpu.memref_squeeze %dma_start3A_1151 : memref<1x128xi32, #tpu.memory_space<vmem>> -> memref<128xi32, #tpu.memory_space<vmem>>
        %dma_start3A_1153 = arith.constant 0 : i32
        %dma_start3A_1154 = arith.constant 0 : i32
        %dma_start3A_1155 = tpu.memref_slice %arg3[%dma_start3A_1153, %dma_start3A_1154] : memref<1000000x64xf32, #tpu.memory_space<hbm>> -> memref<1000000x64xf32, #tpu.memory_space<hbm>>
        tpu.enqueue_indirect_dma source(%dma_start3A_1155 : memref<1000000x64xf32, #tpu.memory_space<hbm>>) target(%dma_start3A_1149 : memref<128x64xf32, #tpu.memory_space<vmem>>) offsets(%dma_start3A_1152 : memref<128xi32, #tpu.memory_space<vmem>>) semaphore(%arg10 : memref<!tpu.dma_semaphore, #tpu.memory_space<semaphore_mem>>)
        %mul3A_1156 = arith.constant 8 : i32
        %mul3A_1157 = arith.muli %scan3A_254, %mul3A_1156 : i32
        %add3A_1158 = arith.constant 4 : i32
        %add3A_1159 = arith.addi %mul3A_1157, %add3A_1158 : i32
        %mul3A_1160 = arith.constant 100 : i32
        %mul3A_1161 = arith.muli %add3A, %mul3A_1160 : i32
        %mul3A_1162 = arith.constant 128 : i32
        %mul3A_1163 = arith.muli %mul3A_1161, %mul3A_1162 : i32
        %jit3A_1164 = arith.constant 2 : i32
        %div3A_1165 = arith.divsi %add3A_1159, %jit3A_1164 : i32
        %sign3A_1166 = arith.constant 0 : i32
        %sign3A_1167 = arith.cmpi sgt, %add3A_1159, %sign3A_1166 : i32
        %sign3A_1168 = arith.extui %sign3A_1167 : i1 to i32
        %sign3A_1169 = arith.constant 0 : i32
        %sign3A_1170 = arith.cmpi slt, %add3A_1159, %sign3A_1169 : i32
        %sign3A_1171 = arith.extui %sign3A_1170 : i1 to i32
        %sign3A_1172 = arith.subi %sign3A_1168, %sign3A_1171 : i32
        %sign3A_1173 = arith.constant 0 : i32
        %sign3A_1174 = arith.cmpi sgt, %jit3A_1164, %sign3A_1173 : i32
        %sign3A_1175 = arith.extui %sign3A_1174 : i1 to i32
        %sign3A_1176 = arith.constant 0 : i32
        %sign3A_1177 = arith.cmpi slt, %jit3A_1164, %sign3A_1176 : i32
        %sign3A_1178 = arith.extui %sign3A_1177 : i1 to i32
        %sign3A_1179 = arith.subi %sign3A_1175, %sign3A_1178 : i32
        %ne3A_1180 = arith.cmpi ne, %sign3A_1172, %sign3A_1179 : i32
        %rem3A_1181 = arith.remsi %add3A_1159, %jit3A_1164 : i32
        %ne3A_1182 = arith.constant 0 : i32
        %ne3A_1183 = arith.cmpi ne, %rem3A_1181, %ne3A_1182 : i32
        %and3A_1184 = arith.andi %ne3A_1180, %ne3A_1183 : i1
        %sub3A_1185 = arith.constant 1 : i32
        %sub3A_1186 = arith.subi %div3A_1165, %sub3A_1185 : i32
        %select_n3A_1187 = arith.select %and3A_1184, %sub3A_1186, %div3A_1165 : i32
        %mul3A_1188 = arith.constant 128 : i32
        %mul3A_1189 = arith.muli %select_n3A_1187, %mul3A_1188 : i32
        %add3A_1190 = arith.addi %mul3A_1163, %mul3A_1189 : i32
        %jit3A_1191 = arith.constant 2 : i32
        %eq3A_1192 = arith.constant 0 : i32
        %eq3A_1193 = arith.cmpi eq, %jit3A_1191, %eq3A_1192 : i32
        %jit3A_1194 = arith.constant 1 : i32
        %select_n3A_1195 = arith.select %eq3A_1193, %jit3A_1194, %jit3A_1191 : i32
        %rem3A_1196 = arith.remsi %add3A_1159, %select_n3A_1195 : i32
        %ne3A_1197 = arith.constant 0 : i32
        %ne3A_1198 = arith.cmpi ne, %rem3A_1196, %ne3A_1197 : i32
        %lt3A_1199 = arith.constant 0 : i32
        %lt3A_1200 = arith.cmpi slt, %rem3A_1196, %lt3A_1199 : i32
        %lt3A_1201 = arith.constant 0 : i32
        %lt3A_1202 = arith.cmpi slt, %select_n3A_1195, %lt3A_1201 : i32
        %ne3A_1203 = arith.xori %lt3A_1200, %lt3A_1202 : i1
        %and3A_1204 = arith.andi %ne3A_1203, %ne3A_1198 : i1
        %add3A_1205 = arith.addi %rem3A_1196, %select_n3A_1195 : i32
        %select_n3A_1206 = arith.select %and3A_1204, %add3A_1205, %rem3A_1196 : i32
        %mul3A_1207 = arith.constant 64 : i32
        %mul3A_1208 = arith.muli %select_n3A_1206, %mul3A_1207 : i32
        %dma_wait3A_1209 = arith.constant 4 : i32
        %dma_wait3A_1210 = arith.constant 0 : i32
        %dma_wait3A_1211 = arith.constant 0 : i32
        %dma_wait3A_1212 = tpu.memref_slice %arg6[%dma_wait3A_1209, %dma_wait3A_1210, %dma_wait3A_1211] : memref<8x128x64xf32, #tpu.memory_space<vmem>> -> memref<1x128x64xf32, #tpu.memory_space<vmem>>
        %dma_wait3A_1213 = tpu.memref_squeeze %dma_wait3A_1212 : memref<1x128x64xf32, #tpu.memory_space<vmem>> -> memref<128x64xf32, #tpu.memory_space<vmem>>
        %dma_wait3A_1214 = tpu.memref_slice %arg4[%add3A_1190, %mul3A_1208] : memref<409600x128xf32, #tpu.memory_space<hbm>> -> memref<128x64xf32, #tpu.memory_space<hbm>>
        %dma_wait3A_1215 = tpu.memref_slice %arg4[%add3A_1190, %mul3A_1208] : memref<409600x128xf32, #tpu.memory_space<hbm>> -> memref<128x64xf32, #tpu.memory_space<hbm>>
        %dma_wait3A_1216 = arith.constant 0 : i32
        %dma_wait3A_1217 = arith.constant 0 : i32
        %dma_wait3A_1218 = tpu.memref_slice %arg6[%dma_wait3A_1209, %dma_wait3A_1216, %dma_wait3A_1217] : memref<8x128x64xf32, #tpu.memory_space<vmem>> -> memref<1x128x64xf32, #tpu.memory_space<vmem>>
        %dma_wait3A_1219 = tpu.memref_squeeze %dma_wait3A_1218 : memref<1x128x64xf32, #tpu.memory_space<vmem>> -> memref<128x64xf32, #tpu.memory_space<vmem>>
        tpu.wait_dma2 semaphore(%arg19 : memref<!tpu.dma_semaphore, #tpu.memory_space<semaphore_mem>>) src(%dma_wait3A_1219 : memref<128x64xf32, #tpu.memory_space<vmem>>) dst(%dma_wait3A_1215 : memref<128x64xf32, #tpu.memory_space<hbm>>)
        %add3A_1220 = arith.constant 8 : i32
        %add3A_1221 = arith.addi %add3A_1159, %add3A_1220 : i32
        %dma_start3A_1222 = arith.constant 4 : i32
        %dma_start3A_1223 = arith.constant 0 : i32
        %dma_start3A_1224 = arith.constant 0 : i32
        %dma_start3A_1225 = tpu.memref_slice %arg6[%dma_start3A_1222, %dma_start3A_1223, %dma_start3A_1224] : memref<8x128x64xf32, #tpu.memory_space<vmem>> -> memref<1x128x64xf32, #tpu.memory_space<vmem>>
        %dma_start3A_1226 = tpu.memref_squeeze %dma_start3A_1225 : memref<1x128x64xf32, #tpu.memory_space<vmem>> -> memref<128x64xf32, #tpu.memory_space<vmem>>
        %dma_start3A_1227 = arith.constant 0 : i32
        %dma_start3A_1228 = tpu.memref_slice %arg5[%add3A_1221, %dma_start3A_1227] : memref<200x128xi32, #tpu.memory_space<vmem>> -> memref<1x128xi32, #tpu.memory_space<vmem>>
        %dma_start3A_1229 = tpu.memref_squeeze %dma_start3A_1228 : memref<1x128xi32, #tpu.memory_space<vmem>> -> memref<128xi32, #tpu.memory_space<vmem>>
        %dma_start3A_1230 = arith.constant 0 : i32
        %dma_start3A_1231 = arith.constant 0 : i32
        %dma_start3A_1232 = tpu.memref_slice %arg3[%dma_start3A_1230, %dma_start3A_1231] : memref<1000000x64xf32, #tpu.memory_space<hbm>> -> memref<1000000x64xf32, #tpu.memory_space<hbm>>
        tpu.enqueue_indirect_dma source(%dma_start3A_1232 : memref<1000000x64xf32, #tpu.memory_space<hbm>>) target(%dma_start3A_1226 : memref<128x64xf32, #tpu.memory_space<vmem>>) offsets(%dma_start3A_1229 : memref<128xi32, #tpu.memory_space<vmem>>) semaphore(%arg11 : memref<!tpu.dma_semaphore, #tpu.memory_space<semaphore_mem>>)
        %mul3A_1233 = arith.constant 8 : i32
        %mul3A_1234 = arith.muli %scan3A_254, %mul3A_1233 : i32
        %add3A_1235 = arith.constant 5 : i32
        %add3A_1236 = arith.addi %mul3A_1234, %add3A_1235 : i32
        %mul3A_1237 = arith.constant 100 : i32
        %mul3A_1238 = arith.muli %add3A, %mul3A_1237 : i32
        %mul3A_1239 = arith.constant 128 : i32
        %mul3A_1240 = arith.muli %mul3A_1238, %mul3A_1239 : i32
        %jit3A_1241 = arith.constant 2 : i32
        %div3A_1242 = arith.divsi %add3A_1236, %jit3A_1241 : i32
        %sign3A_1243 = arith.constant 0 : i32
        %sign3A_1244 = arith.cmpi sgt, %add3A_1236, %sign3A_1243 : i32
        %sign3A_1245 = arith.extui %sign3A_1244 : i1 to i32
        %sign3A_1246 = arith.constant 0 : i32
        %sign3A_1247 = arith.cmpi slt, %add3A_1236, %sign3A_1246 : i32
        %sign3A_1248 = arith.extui %sign3A_1247 : i1 to i32
        %sign3A_1249 = arith.subi %sign3A_1245, %sign3A_1248 : i32
        %sign3A_1250 = arith.constant 0 : i32
        %sign3A_1251 = arith.cmpi sgt, %jit3A_1241, %sign3A_1250 : i32
        %sign3A_1252 = arith.extui %sign3A_1251 : i1 to i32
        %sign3A_1253 = arith.constant 0 : i32
        %sign3A_1254 = arith.cmpi slt, %jit3A_1241, %sign3A_1253 : i32
        %sign3A_1255 = arith.extui %sign3A_1254 : i1 to i32
        %sign3A_1256 = arith.subi %sign3A_1252, %sign3A_1255 : i32
        %ne3A_1257 = arith.cmpi ne, %sign3A_1249, %sign3A_1256 : i32
        %rem3A_1258 = arith.remsi %add3A_1236, %jit3A_1241 : i32
        %ne3A_1259 = arith.constant 0 : i32
        %ne3A_1260 = arith.cmpi ne, %rem3A_1258, %ne3A_1259 : i32
        %and3A_1261 = arith.andi %ne3A_1257, %ne3A_1260 : i1
        %sub3A_1262 = arith.constant 1 : i32
        %sub3A_1263 = arith.subi %div3A_1242, %sub3A_1262 : i32
        %select_n3A_1264 = arith.select %and3A_1261, %sub3A_1263, %div3A_1242 : i32
        %mul3A_1265 = arith.constant 128 : i32
        %mul3A_1266 = arith.muli %select_n3A_1264, %mul3A_1265 : i32
        %add3A_1267 = arith.addi %mul3A_1240, %mul3A_1266 : i32
        %jit3A_1268 = arith.constant 2 : i32
        %eq3A_1269 = arith.constant 0 : i32
        %eq3A_1270 = arith.cmpi eq, %jit3A_1268, %eq3A_1269 : i32
        %jit3A_1271 = arith.constant 1 : i32
        %select_n3A_1272 = arith.select %eq3A_1270, %jit3A_1271, %jit3A_1268 : i32
        %rem3A_1273 = arith.remsi %add3A_1236, %select_n3A_1272 : i32
        %ne3A_1274 = arith.constant 0 : i32
        %ne3A_1275 = arith.cmpi ne, %rem3A_1273, %ne3A_1274 : i32
        %lt3A_1276 = arith.constant 0 : i32
        %lt3A_1277 = arith.cmpi slt, %rem3A_1273, %lt3A_1276 : i32
        %lt3A_1278 = arith.constant 0 : i32
        %lt3A_1279 = arith.cmpi slt, %select_n3A_1272, %lt3A_1278 : i32
        %ne3A_1280 = arith.xori %lt3A_1277, %lt3A_1279 : i1
        %and3A_1281 = arith.andi %ne3A_1280, %ne3A_1275 : i1
        %add3A_1282 = arith.addi %rem3A_1273, %select_n3A_1272 : i32
        %select_n3A_1283 = arith.select %and3A_1281, %add3A_1282, %rem3A_1273 : i32
        %mul3A_1284 = arith.constant 64 : i32
        %mul3A_1285 = arith.muli %select_n3A_1283, %mul3A_1284 : i32
        %dma_wait3A_1286 = arith.constant 5 : i32
        %dma_wait3A_1287 = arith.constant 0 : i32
        %dma_wait3A_1288 = arith.constant 0 : i32
        %dma_wait3A_1289 = tpu.memref_slice %arg6[%dma_wait3A_1286, %dma_wait3A_1287, %dma_wait3A_1288] : memref<8x128x64xf32, #tpu.memory_space<vmem>> -> memref<1x128x64xf32, #tpu.memory_space<vmem>>
        %dma_wait3A_1290 = tpu.memref_squeeze %dma_wait3A_1289 : memref<1x128x64xf32, #tpu.memory_space<vmem>> -> memref<128x64xf32, #tpu.memory_space<vmem>>
        %dma_wait3A_1291 = tpu.memref_slice %arg4[%add3A_1267, %mul3A_1285] : memref<409600x128xf32, #tpu.memory_space<hbm>> -> memref<128x64xf32, #tpu.memory_space<hbm>>
        %dma_wait3A_1292 = tpu.memref_slice %arg4[%add3A_1267, %mul3A_1285] : memref<409600x128xf32, #tpu.memory_space<hbm>> -> memref<128x64xf32, #tpu.memory_space<hbm>>
        %dma_wait3A_1293 = arith.constant 0 : i32
        %dma_wait3A_1294 = arith.constant 0 : i32
        %dma_wait3A_1295 = tpu.memref_slice %arg6[%dma_wait3A_1286, %dma_wait3A_1293, %dma_wait3A_1294] : memref<8x128x64xf32, #tpu.memory_space<vmem>> -> memref<1x128x64xf32, #tpu.memory_space<vmem>>
        %dma_wait3A_1296 = tpu.memref_squeeze %dma_wait3A_1295 : memref<1x128x64xf32, #tpu.memory_space<vmem>> -> memref<128x64xf32, #tpu.memory_space<vmem>>
        tpu.wait_dma2 semaphore(%arg20 : memref<!tpu.dma_semaphore, #tpu.memory_space<semaphore_mem>>) src(%dma_wait3A_1296 : memref<128x64xf32, #tpu.memory_space<vmem>>) dst(%dma_wait3A_1292 : memref<128x64xf32, #tpu.memory_space<hbm>>)
        %add3A_1297 = arith.constant 8 : i32
        %add3A_1298 = arith.addi %add3A_1236, %add3A_1297 : i32
        %dma_start3A_1299 = arith.constant 5 : i32
        %dma_start3A_1300 = arith.constant 0 : i32
        %dma_start3A_1301 = arith.constant 0 : i32
        %dma_start3A_1302 = tpu.memref_slice %arg6[%dma_start3A_1299, %dma_start3A_1300, %dma_start3A_1301] : memref<8x128x64xf32, #tpu.memory_space<vmem>> -> memref<1x128x64xf32, #tpu.memory_space<vmem>>
        %dma_start3A_1303 = tpu.memref_squeeze %dma_start3A_1302 : memref<1x128x64xf32, #tpu.memory_space<vmem>> -> memref<128x64xf32, #tpu.memory_space<vmem>>
        %dma_start3A_1304 = arith.constant 0 : i32
        %dma_start3A_1305 = tpu.memref_slice %arg5[%add3A_1298, %dma_start3A_1304] : memref<200x128xi32, #tpu.memory_space<vmem>> -> memref<1x128xi32, #tpu.memory_space<vmem>>
        %dma_start3A_1306 = tpu.memref_squeeze %dma_start3A_1305 : memref<1x128xi32, #tpu.memory_space<vmem>> -> memref<128xi32, #tpu.memory_space<vmem>>
        %dma_start3A_1307 = arith.constant 0 : i32
        %dma_start3A_1308 = arith.constant 0 : i32
        %dma_start3A_1309 = tpu.memref_slice %arg3[%dma_start3A_1307, %dma_start3A_1308] : memref<1000000x64xf32, #tpu.memory_space<hbm>> -> memref<1000000x64xf32, #tpu.memory_space<hbm>>
        tpu.enqueue_indirect_dma source(%dma_start3A_1309 : memref<1000000x64xf32, #tpu.memory_space<hbm>>) target(%dma_start3A_1303 : memref<128x64xf32, #tpu.memory_space<vmem>>) offsets(%dma_start3A_1306 : memref<128xi32, #tpu.memory_space<vmem>>) semaphore(%arg12 : memref<!tpu.dma_semaphore, #tpu.memory_space<semaphore_mem>>)
        %mul3A_1310 = arith.constant 8 : i32
        %mul3A_1311 = arith.muli %scan3A_254, %mul3A_1310 : i32
        %add3A_1312 = arith.constant 6 : i32
        %add3A_1313 = arith.addi %mul3A_1311, %add3A_1312 : i32
        %mul3A_1314 = arith.constant 100 : i32
        %mul3A_1315 = arith.muli %add3A, %mul3A_1314 : i32
        %mul3A_1316 = arith.constant 128 : i32
        %mul3A_1317 = arith.muli %mul3A_1315, %mul3A_1316 : i32
        %jit3A_1318 = arith.constant 2 : i32
        %div3A_1319 = arith.divsi %add3A_1313, %jit3A_1318 : i32
        %sign3A_1320 = arith.constant 0 : i32
        %sign3A_1321 = arith.cmpi sgt, %add3A_1313, %sign3A_1320 : i32
        %sign3A_1322 = arith.extui %sign3A_1321 : i1 to i32
        %sign3A_1323 = arith.constant 0 : i32
        %sign3A_1324 = arith.cmpi slt, %add3A_1313, %sign3A_1323 : i32
        %sign3A_1325 = arith.extui %sign3A_1324 : i1 to i32
        %sign3A_1326 = arith.subi %sign3A_1322, %sign3A_1325 : i32
        %sign3A_1327 = arith.constant 0 : i32
        %sign3A_1328 = arith.cmpi sgt, %jit3A_1318, %sign3A_1327 : i32
        %sign3A_1329 = arith.extui %sign3A_1328 : i1 to i32
        %sign3A_1330 = arith.constant 0 : i32
        %sign3A_1331 = arith.cmpi slt, %jit3A_1318, %sign3A_1330 : i32
        %sign3A_1332 = arith.extui %sign3A_1331 : i1 to i32
        %sign3A_1333 = arith.subi %sign3A_1329, %sign3A_1332 : i32
        %ne3A_1334 = arith.cmpi ne, %sign3A_1326, %sign3A_1333 : i32
        %rem3A_1335 = arith.remsi %add3A_1313, %jit3A_1318 : i32
        %ne3A_1336 = arith.constant 0 : i32
        %ne3A_1337 = arith.cmpi ne, %rem3A_1335, %ne3A_1336 : i32
        %and3A_1338 = arith.andi %ne3A_1334, %ne3A_1337 : i1
        %sub3A_1339 = arith.constant 1 : i32
        %sub3A_1340 = arith.subi %div3A_1319, %sub3A_1339 : i32
        %select_n3A_1341 = arith.select %and3A_1338, %sub3A_1340, %div3A_1319 : i32
        %mul3A_1342 = arith.constant 128 : i32
        %mul3A_1343 = arith.muli %select_n3A_1341, %mul3A_1342 : i32
        %add3A_1344 = arith.addi %mul3A_1317, %mul3A_1343 : i32
        %jit3A_1345 = arith.constant 2 : i32
        %eq3A_1346 = arith.constant 0 : i32
        %eq3A_1347 = arith.cmpi eq, %jit3A_1345, %eq3A_1346 : i32
        %jit3A_1348 = arith.constant 1 : i32
        %select_n3A_1349 = arith.select %eq3A_1347, %jit3A_1348, %jit3A_1345 : i32
        %rem3A_1350 = arith.remsi %add3A_1313, %select_n3A_1349 : i32
        %ne3A_1351 = arith.constant 0 : i32
        %ne3A_1352 = arith.cmpi ne, %rem3A_1350, %ne3A_1351 : i32
        %lt3A_1353 = arith.constant 0 : i32
        %lt3A_1354 = arith.cmpi slt, %rem3A_1350, %lt3A_1353 : i32
        %lt3A_1355 = arith.constant 0 : i32
        %lt3A_1356 = arith.cmpi slt, %select_n3A_1349, %lt3A_1355 : i32
        %ne3A_1357 = arith.xori %lt3A_1354, %lt3A_1356 : i1
        %and3A_1358 = arith.andi %ne3A_1357, %ne3A_1352 : i1
        %add3A_1359 = arith.addi %rem3A_1350, %select_n3A_1349 : i32
        %select_n3A_1360 = arith.select %and3A_1358, %add3A_1359, %rem3A_1350 : i32
        %mul3A_1361 = arith.constant 64 : i32
        %mul3A_1362 = arith.muli %select_n3A_1360, %mul3A_1361 : i32
        %dma_wait3A_1363 = arith.constant 6 : i32
        %dma_wait3A_1364 = arith.constant 0 : i32
        %dma_wait3A_1365 = arith.constant 0 : i32
        %dma_wait3A_1366 = tpu.memref_slice %arg6[%dma_wait3A_1363, %dma_wait3A_1364, %dma_wait3A_1365] : memref<8x128x64xf32, #tpu.memory_space<vmem>> -> memref<1x128x64xf32, #tpu.memory_space<vmem>>
        %dma_wait3A_1367 = tpu.memref_squeeze %dma_wait3A_1366 : memref<1x128x64xf32, #tpu.memory_space<vmem>> -> memref<128x64xf32, #tpu.memory_space<vmem>>
        %dma_wait3A_1368 = tpu.memref_slice %arg4[%add3A_1344, %mul3A_1362] : memref<409600x128xf32, #tpu.memory_space<hbm>> -> memref<128x64xf32, #tpu.memory_space<hbm>>
        %dma_wait3A_1369 = tpu.memref_slice %arg4[%add3A_1344, %mul3A_1362] : memref<409600x128xf32, #tpu.memory_space<hbm>> -> memref<128x64xf32, #tpu.memory_space<hbm>>
        %dma_wait3A_1370 = arith.constant 0 : i32
        %dma_wait3A_1371 = arith.constant 0 : i32
        %dma_wait3A_1372 = tpu.memref_slice %arg6[%dma_wait3A_1363, %dma_wait3A_1370, %dma_wait3A_1371] : memref<8x128x64xf32, #tpu.memory_space<vmem>> -> memref<1x128x64xf32, #tpu.memory_space<vmem>>
        %dma_wait3A_1373 = tpu.memref_squeeze %dma_wait3A_1372 : memref<1x128x64xf32, #tpu.memory_space<vmem>> -> memref<128x64xf32, #tpu.memory_space<vmem>>
        tpu.wait_dma2 semaphore(%arg21 : memref<!tpu.dma_semaphore, #tpu.memory_space<semaphore_mem>>) src(%dma_wait3A_1373 : memref<128x64xf32, #tpu.memory_space<vmem>>) dst(%dma_wait3A_1369 : memref<128x64xf32, #tpu.memory_space<hbm>>)
        %add3A_1374 = arith.constant 8 : i32
        %add3A_1375 = arith.addi %add3A_1313, %add3A_1374 : i32
        %dma_start3A_1376 = arith.constant 6 : i32
        %dma_start3A_1377 = arith.constant 0 : i32
        %dma_start3A_1378 = arith.constant 0 : i32
        %dma_start3A_1379 = tpu.memref_slice %arg6[%dma_start3A_1376, %dma_start3A_1377, %dma_start3A_1378] : memref<8x128x64xf32, #tpu.memory_space<vmem>> -> memref<1x128x64xf32, #tpu.memory_space<vmem>>
        %dma_start3A_1380 = tpu.memref_squeeze %dma_start3A_1379 : memref<1x128x64xf32, #tpu.memory_space<vmem>> -> memref<128x64xf32, #tpu.memory_space<vmem>>
        %dma_start3A_1381 = arith.constant 0 : i32
        %dma_start3A_1382 = tpu.memref_slice %arg5[%add3A_1375, %dma_start3A_1381] : memref<200x128xi32, #tpu.memory_space<vmem>> -> memref<1x128xi32, #tpu.memory_space<vmem>>
        %dma_start3A_1383 = tpu.memref_squeeze %dma_start3A_1382 : memref<1x128xi32, #tpu.memory_space<vmem>> -> memref<128xi32, #tpu.memory_space<vmem>>
        %dma_start3A_1384 = arith.constant 0 : i32
        %dma_start3A_1385 = arith.constant 0 : i32
        %dma_start3A_1386 = tpu.memref_slice %arg3[%dma_start3A_1384, %dma_start3A_1385] : memref<1000000x64xf32, #tpu.memory_space<hbm>> -> memref<1000000x64xf32, #tpu.memory_space<hbm>>
        tpu.enqueue_indirect_dma source(%dma_start3A_1386 : memref<1000000x64xf32, #tpu.memory_space<hbm>>) target(%dma_start3A_1380 : memref<128x64xf32, #tpu.memory_space<vmem>>) offsets(%dma_start3A_1383 : memref<128xi32, #tpu.memory_space<vmem>>) semaphore(%arg13 : memref<!tpu.dma_semaphore, #tpu.memory_space<semaphore_mem>>)
        %mul3A_1387 = arith.constant 8 : i32
        %mul3A_1388 = arith.muli %scan3A_254, %mul3A_1387 : i32
        %add3A_1389 = arith.constant 7 : i32
        %add3A_1390 = arith.addi %mul3A_1388, %add3A_1389 : i32
        %mul3A_1391 = arith.constant 100 : i32
        %mul3A_1392 = arith.muli %add3A, %mul3A_1391 : i32
        %mul3A_1393 = arith.constant 128 : i32
        %mul3A_1394 = arith.muli %mul3A_1392, %mul3A_1393 : i32
        %jit3A_1395 = arith.constant 2 : i32
        %div3A_1396 = arith.divsi %add3A_1390, %jit3A_1395 : i32
        %sign3A_1397 = arith.constant 0 : i32
        %sign3A_1398 = arith.cmpi sgt, %add3A_1390, %sign3A_1397 : i32
        %sign3A_1399 = arith.extui %sign3A_1398 : i1 to i32
        %sign3A_1400 = arith.constant 0 : i32
        %sign3A_1401 = arith.cmpi slt, %add3A_1390, %sign3A_1400 : i32
        %sign3A_1402 = arith.extui %sign3A_1401 : i1 to i32
        %sign3A_1403 = arith.subi %sign3A_1399, %sign3A_1402 : i32
        %sign3A_1404 = arith.constant 0 : i32
        %sign3A_1405 = arith.cmpi sgt, %jit3A_1395, %sign3A_1404 : i32
        %sign3A_1406 = arith.extui %sign3A_1405 : i1 to i32
        %sign3A_1407 = arith.constant 0 : i32
        %sign3A_1408 = arith.cmpi slt, %jit3A_1395, %sign3A_1407 : i32
        %sign3A_1409 = arith.extui %sign3A_1408 : i1 to i32
        %sign3A_1410 = arith.subi %sign3A_1406, %sign3A_1409 : i32
        %ne3A_1411 = arith.cmpi ne, %sign3A_1403, %sign3A_1410 : i32
        %rem3A_1412 = arith.remsi %add3A_1390, %jit3A_1395 : i32
        %ne3A_1413 = arith.constant 0 : i32
        %ne3A_1414 = arith.cmpi ne, %rem3A_1412, %ne3A_1413 : i32
        %and3A_1415 = arith.andi %ne3A_1411, %ne3A_1414 : i1
        %sub3A_1416 = arith.constant 1 : i32
        %sub3A_1417 = arith.subi %div3A_1396, %sub3A_1416 : i32
        %select_n3A_1418 = arith.select %and3A_1415, %sub3A_1417, %div3A_1396 : i32
        %mul3A_1419 = arith.constant 128 : i32
        %mul3A_1420 = arith.muli %select_n3A_1418, %mul3A_1419 : i32
        %add3A_1421 = arith.addi %mul3A_1394, %mul3A_1420 : i32
        %jit3A_1422 = arith.constant 2 : i32
        %eq3A_1423 = arith.constant 0 : i32
        %eq3A_1424 = arith.cmpi eq, %jit3A_1422, %eq3A_1423 : i32
        %jit3A_1425 = arith.constant 1 : i32
        %select_n3A_1426 = arith.select %eq3A_1424, %jit3A_1425, %jit3A_1422 : i32
        %rem3A_1427 = arith.remsi %add3A_1390, %select_n3A_1426 : i32
        %ne3A_1428 = arith.constant 0 : i32
        %ne3A_1429 = arith.cmpi ne, %rem3A_1427, %ne3A_1428 : i32
        %lt3A_1430 = arith.constant 0 : i32
        %lt3A_1431 = arith.cmpi slt, %rem3A_1427, %lt3A_1430 : i32
        %lt3A_1432 = arith.constant 0 : i32
        %lt3A_1433 = arith.cmpi slt, %select_n3A_1426, %lt3A_1432 : i32
        %ne3A_1434 = arith.xori %lt3A_1431, %lt3A_1433 : i1
        %and3A_1435 = arith.andi %ne3A_1434, %ne3A_1429 : i1
        %add3A_1436 = arith.addi %rem3A_1427, %select_n3A_1426 : i32
        %select_n3A_1437 = arith.select %and3A_1435, %add3A_1436, %rem3A_1427 : i32
        %mul3A_1438 = arith.constant 64 : i32
        %mul3A_1439 = arith.muli %select_n3A_1437, %mul3A_1438 : i32
        %dma_wait3A_1440 = arith.constant 7 : i32
        %dma_wait3A_1441 = arith.constant 0 : i32
        %dma_wait3A_1442 = arith.constant 0 : i32
        %dma_wait3A_1443 = tpu.memref_slice %arg6[%dma_wait3A_1440, %dma_wait3A_1441, %dma_wait3A_1442] : memref<8x128x64xf32, #tpu.memory_space<vmem>> -> memref<1x128x64xf32, #tpu.memory_space<vmem>>
        %dma_wait3A_1444 = tpu.memref_squeeze %dma_wait3A_1443 : memref<1x128x64xf32, #tpu.memory_space<vmem>> -> memref<128x64xf32, #tpu.memory_space<vmem>>
        %dma_wait3A_1445 = tpu.memref_slice %arg4[%add3A_1421, %mul3A_1439] : memref<409600x128xf32, #tpu.memory_space<hbm>> -> memref<128x64xf32, #tpu.memory_space<hbm>>
        %dma_wait3A_1446 = tpu.memref_slice %arg4[%add3A_1421, %mul3A_1439] : memref<409600x128xf32, #tpu.memory_space<hbm>> -> memref<128x64xf32, #tpu.memory_space<hbm>>
        %dma_wait3A_1447 = arith.constant 0 : i32
        %dma_wait3A_1448 = arith.constant 0 : i32
        %dma_wait3A_1449 = tpu.memref_slice %arg6[%dma_wait3A_1440, %dma_wait3A_1447, %dma_wait3A_1448] : memref<8x128x64xf32, #tpu.memory_space<vmem>> -> memref<1x128x64xf32, #tpu.memory_space<vmem>>
        %dma_wait3A_1450 = tpu.memref_squeeze %dma_wait3A_1449 : memref<1x128x64xf32, #tpu.memory_space<vmem>> -> memref<128x64xf32, #tpu.memory_space<vmem>>
        tpu.wait_dma2 semaphore(%arg22 : memref<!tpu.dma_semaphore, #tpu.memory_space<semaphore_mem>>) src(%dma_wait3A_1450 : memref<128x64xf32, #tpu.memory_space<vmem>>) dst(%dma_wait3A_1446 : memref<128x64xf32, #tpu.memory_space<hbm>>)
        %add3A_1451 = arith.constant 8 : i32
        %add3A_1452 = arith.addi %add3A_1390, %add3A_1451 : i32
        %dma_start3A_1453 = arith.constant 7 : i32
        %dma_start3A_1454 = arith.constant 0 : i32
        %dma_start3A_1455 = arith.constant 0 : i32
        %dma_start3A_1456 = tpu.memref_slice %arg6[%dma_start3A_1453, %dma_start3A_1454, %dma_start3A_1455] : memref<8x128x64xf32, #tpu.memory_space<vmem>> -> memref<1x128x64xf32, #tpu.memory_space<vmem>>
        %dma_start3A_1457 = tpu.memref_squeeze %dma_start3A_1456 : memref<1x128x64xf32, #tpu.memory_space<vmem>> -> memref<128x64xf32, #tpu.memory_space<vmem>>
        %dma_start3A_1458 = arith.constant 0 : i32
        %dma_start3A_1459 = tpu.memref_slice %arg5[%add3A_1452, %dma_start3A_1458] : memref<200x128xi32, #tpu.memory_space<vmem>> -> memref<1x128xi32, #tpu.memory_space<vmem>>
        %dma_start3A_1460 = tpu.memref_squeeze %dma_start3A_1459 : memref<1x128xi32, #tpu.memory_space<vmem>> -> memref<128xi32, #tpu.memory_space<vmem>>
        %dma_start3A_1461 = arith.constant 0 : i32
        %dma_start3A_1462 = arith.constant 0 : i32
        %dma_start3A_1463 = tpu.memref_slice %arg3[%dma_start3A_1461, %dma_start3A_1462] : memref<1000000x64xf32, #tpu.memory_space<hbm>> -> memref<1000000x64xf32, #tpu.memory_space<hbm>>
        tpu.enqueue_indirect_dma source(%dma_start3A_1463 : memref<1000000x64xf32, #tpu.memory_space<hbm>>) target(%dma_start3A_1457 : memref<128x64xf32, #tpu.memory_space<vmem>>) offsets(%dma_start3A_1460 : memref<128xi32, #tpu.memory_space<vmem>>) semaphore(%arg14 : memref<!tpu.dma_semaphore, #tpu.memory_space<semaphore_mem>>)
      } else {
      }
    }
    %scan3A_102 = arith.constant 25 : i32
    %mul3A_103 = arith.constant 100 : i32
    %mul3A_104 = arith.muli %add3A, %mul3A_103 : i32
    %mul3A_105 = arith.constant 128 : i32
    %mul3A_106 = arith.muli %mul3A_104, %mul3A_105 : i32
    %add3A_107 = arith.constant 12288 : i32
    %add3A_108 = arith.addi %mul3A_106, %add3A_107 : i32
    %dma_wait3A = arith.constant 0 : i32
    %dma_wait3A_109 = arith.constant 0 : i32
    %dma_wait3A_110 = arith.constant 0 : i32
    %dma_wait3A_111 = tpu.memref_slice %arg6[%dma_wait3A, %dma_wait3A_109, %dma_wait3A_110] : memref<8x128x64xf32, #tpu.memory_space<vmem>> -> memref<1x128x64xf32, #tpu.memory_space<vmem>>
    %dma_wait3A_112 = tpu.memref_squeeze %dma_wait3A_111 : memref<1x128x64xf32, #tpu.memory_space<vmem>> -> memref<128x64xf32, #tpu.memory_space<vmem>>
    %dma_wait3A_113 = arith.constant 0 : i32
    %dma_wait3A_114 = tpu.memref_slice %arg4[%add3A_108, %dma_wait3A_113] : memref<409600x128xf32, #tpu.memory_space<hbm>> -> memref<128x64xf32, #tpu.memory_space<hbm>>
    %dma_wait3A_115 = arith.constant 0 : i32
    %dma_wait3A_116 = tpu.memref_slice %arg4[%add3A_108, %dma_wait3A_115] : memref<409600x128xf32, #tpu.memory_space<hbm>> -> memref<128x64xf32, #tpu.memory_space<hbm>>
    %dma_wait3A_117 = arith.constant 0 : i32
    %dma_wait3A_118 = arith.constant 0 : i32
    %dma_wait3A_119 = tpu.memref_slice %arg6[%dma_wait3A, %dma_wait3A_117, %dma_wait3A_118] : memref<8x128x64xf32, #tpu.memory_space<vmem>> -> memref<1x128x64xf32, #tpu.memory_space<vmem>>
    %dma_wait3A_120 = tpu.memref_squeeze %dma_wait3A_119 : memref<1x128x64xf32, #tpu.memory_space<vmem>> -> memref<128x64xf32, #tpu.memory_space<vmem>>
    tpu.wait_dma2 semaphore(%arg15 : memref<!tpu.dma_semaphore, #tpu.memory_space<semaphore_mem>>) src(%dma_wait3A_120 : memref<128x64xf32, #tpu.memory_space<vmem>>) dst(%dma_wait3A_116 : memref<128x64xf32, #tpu.memory_space<hbm>>)
    %mul3A_121 = arith.constant 100 : i32
    %mul3A_122 = arith.muli %add3A, %mul3A_121 : i32
    %mul3A_123 = arith.constant 128 : i32
    %mul3A_124 = arith.muli %mul3A_122, %mul3A_123 : i32
    %add3A_125 = arith.constant 12288 : i32
    %add3A_126 = arith.addi %mul3A_124, %add3A_125 : i32
    %dma_wait3A_127 = arith.constant 1 : i32
    %dma_wait3A_128 = arith.constant 0 : i32
    %dma_wait3A_129 = arith.constant 0 : i32
    %dma_wait3A_130 = tpu.memref_slice %arg6[%dma_wait3A_127, %dma_wait3A_128, %dma_wait3A_129] : memref<8x128x64xf32, #tpu.memory_space<vmem>> -> memref<1x128x64xf32, #tpu.memory_space<vmem>>
    %dma_wait3A_131 = tpu.memref_squeeze %dma_wait3A_130 : memref<1x128x64xf32, #tpu.memory_space<vmem>> -> memref<128x64xf32, #tpu.memory_space<vmem>>
    %dma_wait3A_132 = arith.constant 64 : i32
    %dma_wait3A_133 = tpu.memref_slice %arg4[%add3A_126, %dma_wait3A_132] : memref<409600x128xf32, #tpu.memory_space<hbm>> -> memref<128x64xf32, #tpu.memory_space<hbm>>
    %dma_wait3A_134 = arith.constant 64 : i32
    %dma_wait3A_135 = tpu.memref_slice %arg4[%add3A_126, %dma_wait3A_134] : memref<409600x128xf32, #tpu.memory_space<hbm>> -> memref<128x64xf32, #tpu.memory_space<hbm>>
    %dma_wait3A_136 = arith.constant 0 : i32
    %dma_wait3A_137 = arith.constant 0 : i32
    %dma_wait3A_138 = tpu.memref_slice %arg6[%dma_wait3A_127, %dma_wait3A_136, %dma_wait3A_137] : memref<8x128x64xf32, #tpu.memory_space<vmem>> -> memref<1x128x64xf32, #tpu.memory_space<vmem>>
    %dma_wait3A_139 = tpu.memref_squeeze %dma_wait3A_138 : memref<1x128x64xf32, #tpu.memory_space<vmem>> -> memref<128x64xf32, #tpu.memory_space<vmem>>
    tpu.wait_dma2 semaphore(%arg16 : memref<!tpu.dma_semaphore, #tpu.memory_space<semaphore_mem>>) src(%dma_wait3A_139 : memref<128x64xf32, #tpu.memory_space<vmem>>) dst(%dma_wait3A_135 : memref<128x64xf32, #tpu.memory_space<hbm>>)
    %mul3A_140 = arith.constant 100 : i32
    %mul3A_141 = arith.muli %add3A, %mul3A_140 : i32
    %mul3A_142 = arith.constant 128 : i32
    %mul3A_143 = arith.muli %mul3A_141, %mul3A_142 : i32
    %add3A_144 = arith.constant 12416 : i32
    %add3A_145 = arith.addi %mul3A_143, %add3A_144 : i32
    %dma_wait3A_146 = arith.constant 2 : i32
    %dma_wait3A_147 = arith.constant 0 : i32
    %dma_wait3A_148 = arith.constant 0 : i32
    %dma_wait3A_149 = tpu.memref_slice %arg6[%dma_wait3A_146, %dma_wait3A_147, %dma_wait3A_148] : memref<8x128x64xf32, #tpu.memory_space<vmem>> -> memref<1x128x64xf32, #tpu.memory_space<vmem>>
    %dma_wait3A_150 = tpu.memref_squeeze %dma_wait3A_149 : memref<1x128x64xf32, #tpu.memory_space<vmem>> -> memref<128x64xf32, #tpu.memory_space<vmem>>
    %dma_wait3A_151 = arith.constant 0 : i32
    %dma_wait3A_152 = tpu.memref_slice %arg4[%add3A_145, %dma_wait3A_151] : memref<409600x128xf32, #tpu.memory_space<hbm>> -> memref<128x64xf32, #tpu.memory_space<hbm>>
    %dma_wait3A_153 = arith.constant 0 : i32
    %dma_wait3A_154 = tpu.memref_slice %arg4[%add3A_145, %dma_wait3A_153] : memref<409600x128xf32, #tpu.memory_space<hbm>> -> memref<128x64xf32, #tpu.memory_space<hbm>>
    %dma_wait3A_155 = arith.constant 0 : i32
    %dma_wait3A_156 = arith.constant 0 : i32
    %dma_wait3A_157 = tpu.memref_slice %arg6[%dma_wait3A_146, %dma_wait3A_155, %dma_wait3A_156] : memref<8x128x64xf32, #tpu.memory_space<vmem>> -> memref<1x128x64xf32, #tpu.memory_space<vmem>>
    %dma_wait3A_158 = tpu.memref_squeeze %dma_wait3A_157 : memref<1x128x64xf32, #tpu.memory_space<vmem>> -> memref<128x64xf32, #tpu.memory_space<vmem>>
    tpu.wait_dma2 semaphore(%arg17 : memref<!tpu.dma_semaphore, #tpu.memory_space<semaphore_mem>>) src(%dma_wait3A_158 : memref<128x64xf32, #tpu.memory_space<vmem>>) dst(%dma_wait3A_154 : memref<128x64xf32, #tpu.memory_space<hbm>>)
    %mul3A_159 = arith.constant 100 : i32
    %mul3A_160 = arith.muli %add3A, %mul3A_159 : i32
    %mul3A_161 = arith.constant 128 : i32
    %mul3A_162 = arith.muli %mul3A_160, %mul3A_161 : i32
    %add3A_163 = arith.constant 12416 : i32
    %add3A_164 = arith.addi %mul3A_162, %add3A_163 : i32
    %dma_wait3A_165 = arith.constant 3 : i32
    %dma_wait3A_166 = arith.constant 0 : i32
    %dma_wait3A_167 = arith.constant 0 : i32
    %dma_wait3A_168 = tpu.memref_slice %arg6[%dma_wait3A_165, %dma_wait3A_166, %dma_wait3A_167] : memref<8x128x64xf32, #tpu.memory_space<vmem>> -> memref<1x128x64xf32, #tpu.memory_space<vmem>>
    %dma_wait3A_169 = tpu.memref_squeeze %dma_wait3A_168 : memref<1x128x64xf32, #tpu.memory_space<vmem>> -> memref<128x64xf32, #tpu.memory_space<vmem>>
    %dma_wait3A_170 = arith.constant 64 : i32
    %dma_wait3A_171 = tpu.memref_slice %arg4[%add3A_164, %dma_wait3A_170] : memref<409600x128xf32, #tpu.memory_space<hbm>> -> memref<128x64xf32, #tpu.memory_space<hbm>>
    %dma_wait3A_172 = arith.constant 64 : i32
    %dma_wait3A_173 = tpu.memref_slice %arg4[%add3A_164, %dma_wait3A_172] : memref<409600x128xf32, #tpu.memory_space<hbm>> -> memref<128x64xf32, #tpu.memory_space<hbm>>
    %dma_wait3A_174 = arith.constant 0 : i32
    %dma_wait3A_175 = arith.constant 0 : i32
    %dma_wait3A_176 = tpu.memref_slice %arg6[%dma_wait3A_165, %dma_wait3A_174, %dma_wait3A_175] : memref<8x128x64xf32, #tpu.memory_space<vmem>> -> memref<1x128x64xf32, #tpu.memory_space<vmem>>
    %dma_wait3A_177 = tpu.memref_squeeze %dma_wait3A_176 : memref<1x128x64xf32, #tpu.memory_space<vmem>> -> memref<128x64xf32, #tpu.memory_space<vmem>>
    tpu.wait_dma2 semaphore(%arg18 : memref<!tpu.dma_semaphore, #tpu.memory_space<semaphore_mem>>) src(%dma_wait3A_177 : memref<128x64xf32, #tpu.memory_space<vmem>>) dst(%dma_wait3A_173 : memref<128x64xf32, #tpu.memory_space<hbm>>)
    %mul3A_178 = arith.constant 100 : i32
    %mul3A_179 = arith.muli %add3A, %mul3A_178 : i32
    %mul3A_180 = arith.constant 128 : i32
    %mul3A_181 = arith.muli %mul3A_179, %mul3A_180 : i32
    %add3A_182 = arith.constant 12544 : i32
    %add3A_183 = arith.addi %mul3A_181, %add3A_182 : i32
    %dma_wait3A_184 = arith.constant 4 : i32
    %dma_wait3A_185 = arith.constant 0 : i32
    %dma_wait3A_186 = arith.constant 0 : i32
    %dma_wait3A_187 = tpu.memref_slice %arg6[%dma_wait3A_184, %dma_wait3A_185, %dma_wait3A_186] : memref<8x128x64xf32, #tpu.memory_space<vmem>> -> memref<1x128x64xf32, #tpu.memory_space<vmem>>
    %dma_wait3A_188 = tpu.memref_squeeze %dma_wait3A_187 : memref<1x128x64xf32, #tpu.memory_space<vmem>> -> memref<128x64xf32, #tpu.memory_space<vmem>>
    %dma_wait3A_189 = arith.constant 0 : i32
    %dma_wait3A_190 = tpu.memref_slice %arg4[%add3A_183, %dma_wait3A_189] : memref<409600x128xf32, #tpu.memory_space<hbm>> -> memref<128x64xf32, #tpu.memory_space<hbm>>
    %dma_wait3A_191 = arith.constant 0 : i32
    %dma_wait3A_192 = tpu.memref_slice %arg4[%add3A_183, %dma_wait3A_191] : memref<409600x128xf32, #tpu.memory_space<hbm>> -> memref<128x64xf32, #tpu.memory_space<hbm>>
    %dma_wait3A_193 = arith.constant 0 : i32
    %dma_wait3A_194 = arith.constant 0 : i32
    %dma_wait3A_195 = tpu.memref_slice %arg6[%dma_wait3A_184, %dma_wait3A_193, %dma_wait3A_194] : memref<8x128x64xf32, #tpu.memory_space<vmem>> -> memref<1x128x64xf32, #tpu.memory_space<vmem>>
    %dma_wait3A_196 = tpu.memref_squeeze %dma_wait3A_195 : memref<1x128x64xf32, #tpu.memory_space<vmem>> -> memref<128x64xf32, #tpu.memory_space<vmem>>
    tpu.wait_dma2 semaphore(%arg19 : memref<!tpu.dma_semaphore, #tpu.memory_space<semaphore_mem>>) src(%dma_wait3A_196 : memref<128x64xf32, #tpu.memory_space<vmem>>) dst(%dma_wait3A_192 : memref<128x64xf32, #tpu.memory_space<hbm>>)
    %mul3A_197 = arith.constant 100 : i32
    %mul3A_198 = arith.muli %add3A, %mul3A_197 : i32
    %mul3A_199 = arith.constant 128 : i32
    %mul3A_200 = arith.muli %mul3A_198, %mul3A_199 : i32
    %add3A_201 = arith.constant 12544 : i32
    %add3A_202 = arith.addi %mul3A_200, %add3A_201 : i32
    %dma_wait3A_203 = arith.constant 5 : i32
    %dma_wait3A_204 = arith.constant 0 : i32
    %dma_wait3A_205 = arith.constant 0 : i32
    %dma_wait3A_206 = tpu.memref_slice %arg6[%dma_wait3A_203, %dma_wait3A_204, %dma_wait3A_205] : memref<8x128x64xf32, #tpu.memory_space<vmem>> -> memref<1x128x64xf32, #tpu.memory_space<vmem>>
    %dma_wait3A_207 = tpu.memref_squeeze %dma_wait3A_206 : memref<1x128x64xf32, #tpu.memory_space<vmem>> -> memref<128x64xf32, #tpu.memory_space<vmem>>
    %dma_wait3A_208 = arith.constant 64 : i32
    %dma_wait3A_209 = tpu.memref_slice %arg4[%add3A_202, %dma_wait3A_208] : memref<409600x128xf32, #tpu.memory_space<hbm>> -> memref<128x64xf32, #tpu.memory_space<hbm>>
    %dma_wait3A_210 = arith.constant 64 : i32
    %dma_wait3A_211 = tpu.memref_slice %arg4[%add3A_202, %dma_wait3A_210] : memref<409600x128xf32, #tpu.memory_space<hbm>> -> memref<128x64xf32, #tpu.memory_space<hbm>>
    %dma_wait3A_212 = arith.constant 0 : i32
    %dma_wait3A_213 = arith.constant 0 : i32
    %dma_wait3A_214 = tpu.memref_slice %arg6[%dma_wait3A_203, %dma_wait3A_212, %dma_wait3A_213] : memref<8x128x64xf32, #tpu.memory_space<vmem>> -> memref<1x128x64xf32, #tpu.memory_space<vmem>>
    %dma_wait3A_215 = tpu.memref_squeeze %dma_wait3A_214 : memref<1x128x64xf32, #tpu.memory_space<vmem>> -> memref<128x64xf32, #tpu.memory_space<vmem>>
    tpu.wait_dma2 semaphore(%arg20 : memref<!tpu.dma_semaphore, #tpu.memory_space<semaphore_mem>>) src(%dma_wait3A_215 : memref<128x64xf32, #tpu.memory_space<vmem>>) dst(%dma_wait3A_211 : memref<128x64xf32, #tpu.memory_space<hbm>>)
    %mul3A_216 = arith.constant 100 : i32
    %mul3A_217 = arith.muli %add3A, %mul3A_216 : i32
    %mul3A_218 = arith.constant 128 : i32
    %mul3A_219 = arith.muli %mul3A_217, %mul3A_218 : i32
    %add3A_220 = arith.constant 12672 : i32
    %add3A_221 = arith.addi %mul3A_219, %add3A_220 : i32
    %dma_wait3A_222 = arith.constant 6 : i32
    %dma_wait3A_223 = arith.constant 0 : i32
    %dma_wait3A_224 = arith.constant 0 : i32
    %dma_wait3A_225 = tpu.memref_slice %arg6[%dma_wait3A_222, %dma_wait3A_223, %dma_wait3A_224] : memref<8x128x64xf32, #tpu.memory_space<vmem>> -> memref<1x128x64xf32, #tpu.memory_space<vmem>>
    %dma_wait3A_226 = tpu.memref_squeeze %dma_wait3A_225 : memref<1x128x64xf32, #tpu.memory_space<vmem>> -> memref<128x64xf32, #tpu.memory_space<vmem>>
    %dma_wait3A_227 = arith.constant 0 : i32
    %dma_wait3A_228 = tpu.memref_slice %arg4[%add3A_221, %dma_wait3A_227] : memref<409600x128xf32, #tpu.memory_space<hbm>> -> memref<128x64xf32, #tpu.memory_space<hbm>>
    %dma_wait3A_229 = arith.constant 0 : i32
    %dma_wait3A_230 = tpu.memref_slice %arg4[%add3A_221, %dma_wait3A_229] : memref<409600x128xf32, #tpu.memory_space<hbm>> -> memref<128x64xf32, #tpu.memory_space<hbm>>
    %dma_wait3A_231 = arith.constant 0 : i32
    %dma_wait3A_232 = arith.constant 0 : i32
    %dma_wait3A_233 = tpu.memref_slice %arg6[%dma_wait3A_222, %dma_wait3A_231, %dma_wait3A_232] : memref<8x128x64xf32, #tpu.memory_space<vmem>> -> memref<1x128x64xf32, #tpu.memory_space<vmem>>
    %dma_wait3A_234 = tpu.memref_squeeze %dma_wait3A_233 : memref<1x128x64xf32, #tpu.memory_space<vmem>> -> memref<128x64xf32, #tpu.memory_space<vmem>>
    tpu.wait_dma2 semaphore(%arg21 : memref<!tpu.dma_semaphore, #tpu.memory_space<semaphore_mem>>) src(%dma_wait3A_234 : memref<128x64xf32, #tpu.memory_space<vmem>>) dst(%dma_wait3A_230 : memref<128x64xf32, #tpu.memory_space<hbm>>)
    %mul3A_235 = arith.constant 100 : i32
    %mul3A_236 = arith.muli %add3A, %mul3A_235 : i32
    %mul3A_237 = arith.constant 128 : i32
    %mul3A_238 = arith.muli %mul3A_236, %mul3A_237 : i32
    %add3A_239 = arith.constant 12672 : i32
    %add3A_240 = arith.addi %mul3A_238, %add3A_239 : i32
    %dma_wait3A_241 = arith.constant 7 : i32
    %dma_wait3A_242 = arith.constant 0 : i32
    %dma_wait3A_243 = arith.constant 0 : i32
    %dma_wait3A_244 = tpu.memref_slice %arg6[%dma_wait3A_241, %dma_wait3A_242, %dma_wait3A_243] : memref<8x128x64xf32, #tpu.memory_space<vmem>> -> memref<1x128x64xf32, #tpu.memory_space<vmem>>
    %dma_wait3A_245 = tpu.memref_squeeze %dma_wait3A_244 : memref<1x128x64xf32, #tpu.memory_space<vmem>> -> memref<128x64xf32, #tpu.memory_space<vmem>>
    %dma_wait3A_246 = arith.constant 64 : i32
    %dma_wait3A_247 = tpu.memref_slice %arg4[%add3A_240, %dma_wait3A_246] : memref<409600x128xf32, #tpu.memory_space<hbm>> -> memref<128x64xf32, #tpu.memory_space<hbm>>
    %dma_wait3A_248 = arith.constant 64 : i32
    %dma_wait3A_249 = tpu.memref_slice %arg4[%add3A_240, %dma_wait3A_248] : memref<409600x128xf32, #tpu.memory_space<hbm>> -> memref<128x64xf32, #tpu.memory_space<hbm>>
    %dma_wait3A_250 = arith.constant 0 : i32
    %dma_wait3A_251 = arith.constant 0 : i32
    %dma_wait3A_252 = tpu.memref_slice %arg6[%dma_wait3A_241, %dma_wait3A_250, %dma_wait3A_251] : memref<8x128x64xf32, #tpu.memory_space<vmem>> -> memref<1x128x64xf32, #tpu.memory_space<vmem>>
    %dma_wait3A_253 = tpu.memref_squeeze %dma_wait3A_252 : memref<1x128x64xf32, #tpu.memory_space<vmem>> -> memref<128x64xf32, #tpu.memory_space<vmem>>
    tpu.wait_dma2 semaphore(%arg22 : memref<!tpu.dma_semaphore, #tpu.memory_space<semaphore_mem>>) src(%dma_wait3A_253 : memref<128x64xf32, #tpu.memory_space<vmem>>) dst(%dma_wait3A_249 : memref<128x64xf32, #tpu.memory_space<hbm>>)
    return
  }
}

</mosaic_0001>

<sc_bundles>
// kernel: kernel.3.cloned.1.call-start
scs
__scs_entry_jumppad:
0x0: {  	(pc) =	sbr.rel $0x88, $3  }
0x1: {  	(tag) =	ssettag $0x0;
	lr =	simm.s32 $0x1  }
0x2: {  	[smem:$0x3F9F] =	sst lr;
	_ =	strace $0xD0000000  }
0x3: {  	_ = 	snop  }
0x4: {  	_ = 	snop  }
0x5: {  	_ = 	snop  }
0x6: {  	_ = 	snop  }
0x7: {  	_ = 	snop  }
__scs_overlays_trampoline_lowered:
0x8: {  	[smem:$0x3FAE] =	sst s0  }
0x9: {  	[smem:$0x3FAF] =	sst s1  }
0xa: {  	[smem:$0x3FB0] =	sst s2  }
0xb: {  	[smem:$0x3FB1] =	sst s3  }
0xc: {  	[smem:$0x3FB2] =	sst s4  }
0xd: {  	[smem:$0x3FB3] =	sst s5  }
0xe: {  	[smem:$0x3FB4] =	sst s6  }
0xf: {  	[smem:$0x3FB5] =	sst s7  }
0x10: {  	[smem:$0x3FB6] =	sst s8  }
0x11: {  	[smem:$0x3FB7] =	sst s9;
	s0 =	simm.s32 @!p0 $0x0  }
0x12: {  	s1 =	sld [smem:$0x3F9D];
	s0 =	simm.s32 @p0 $0x1  }
0x13: {  	[smem:$0x3FB8] =	sst s0;
	s0 =	simm.s32 @!p1 $0x0  }
0x14: {  	s2 =	sld [smem:$0x3F9C];
	s0 =	simm.s32 @p1 $0x1  }
0x15: {  	[smem:$0x3FB9] =	sst s0;
	s0 =	simm.s32 @!p2 $0x0  }
0x16: {  	s3 =	sld [smem:$0x3FDB];
	s0 =	simm.s32 @p2 $0x1  }
0x17: {  	s4 =	simm.s32 $0x1BF5;
	[smem:$0x3FBB] =	sst s0  }
0x18: {  	s0 =	sld [smem:$0x3F9E];
	_ =	swait.ge [sflag:s4], $0x0  }
0x19: {  	s7 =	sld [smem:$0x3F9F]  }
0x1a: {  	s8 =	sadd.s32 $0xFFFFE003, lr  }
0x1b: {  	s9 =	sadd.s32 $0xFFFFFEF7, lr;
	s5 =	simm.s32 $0xFFFFFFFF;
	p2 =	slt.u32 s8, $0xFFFFF086  }
0x1c: {  	p1 =	slt.u32 s9, $0xF7A;
	s5 =	simm.s32 @!p2 $0x0  }
0x1d: {  	s5 =	simm.s32 @p1 $0x1;
	p0 =	seq.s32 s7, s2  }
0x1e: {  	s7 =	smul.u32 @!p0 $0xF7A, s2;
	p2 =	seq.s32 @!p0 s5, $0x0  }
0x1f: {  	s9 =	smul.u32 $0xF7A, s1;
	s8 =	simm.s32 @!p0 $0x1BF5;
	p2 =	por !p2, p0  }
0x20: {  	[sflag:s8] =	ssyncset.s32 @!p0 $0xFFFFF086;
	s6 =	sadd.s32 @!p0 s3, s7;
	s7 =	simm.s32 @!p0 $0x108  }
0x21: {  	s3 =	sadd.s32 s3, s9;
	s6 =	sadd.s32 @!p0 $0x88, s6;
	s7 =	simm.s32 @p2 $0x1082  }
0x22: {  	[simem:s7], [sflag:s8] =	dma.local @!p0 [hbm:s6], $0xF7A  }
0x23: {  	s9 =	sor.u32 $0xD0000000, s2;
	s6 =	simm.s32 $0x108;
	_ =	swait.ge @!p0 [sflag:s8], $0x0  }
0x24: {  	s3 =	sadd.s32 $0x88, s3;
	s6 =	simm.s32 @!p1 $0x1082;
	[sflag:s4] =	ssyncset.s32 $0xFFFFF086  }
0x25: {  	[simem:s6], [sflag:s4] =	dma.local [hbm:s3], $0xF7A  }
0x26: {  	[smem:$0x3F9F] =	sst s1;
	(tag) =	ssettag s2;
	_ =	strace s9  }
0x27: {  	s1 =	sld [smem:$0x3FAF]  }
0x28: {  	s2 =	sld [smem:$0x3FB0]  }
0x29: {  	s4 =	sld [smem:$0x3FB2]  }
0x2a: {  	p0 =	seq.s32 s5, $0x0;
	s5 =	sld [smem:$0x3FB3]  }
0x2b: {  	s6 =	sld [smem:$0x3FB4]  }
0x2c: {  	s7 =	sld [smem:$0x3FB5]  }
0x2d: {  	s3 =	simm.s32 $0x108;
	s8 =	sld [smem:$0x3FB6]  }
0x2e: {  	s3 =	simm.s32 @!p0 $0x1082;
	s9 =	sld [smem:$0x3FB7]  }
0x2f: {  	lr =	sadd.s32 s0, s3;
	s0 =	sld [smem:$0x3FAE]  }
0x30: {  	s3 =	sld [smem:$0x3FB1]  }
0x31: {  	[smem:$0x3FBA] =	sst s10  }
0x32: {  	s10 =	sld [smem:$0x3FB8];
	_ =	sdelay $0x3  }
0x33: {  	p0 =	seq.s32 s10, $0x1;
	s10 =	sld [smem:$0x3FBA];
	_ =	sdelay $0x3  }
0x34: {  	[smem:$0x3FBA] =	sst s10  }
0x35: {  	s10 =	sld [smem:$0x3FB9];
	_ =	sdelay $0x3  }
0x36: {  	p1 =	seq.s32 s10, $0x1;
	s10 =	sld [smem:$0x3FBA];
	_ =	sdelay $0x3  }
0x37: {  	[smem:$0x3FBA] =	sst s10  }
0x38: {  	s10 =	sld [smem:$0x3FBB]  }
0x39: {  	_ = 	snop;
	(pc) =	sbr.ind lr, $3  }
0x3a: {  	_ = 	snop  }
0x3b: {  	_ = 	snop  }
0x3c: {  	p2 =	seq.s32 s10, $0x1;
	s10 =	sld [smem:$0x3FBA]  }
0x3d: {  	_ =	shalt  }
0x3e: {  	_ =	shalt  }
0x3f: {  	_ =	shalt  }
0x40: {  	_ =	shalt  }
0x41: {  	_ =	shalt  }
0x42: {  	_ =	shalt  }
0x43: {  	_ =	shalt  }
0x44: {  	_ =	shalt  }
0x45: {  	_ =	shalt  }
0x46: {  	_ =	shalt  }
0x47: {  	_ =	shalt  }
0x48: {  	_ =	shalt  }
0x49: {  	_ =	shalt  }
0x4a: {  	_ =	shalt  }
0x4b: {  	_ =	shalt  }
0x4c: {  	_ =	shalt  }
0x4d: {  	_ =	shalt  }
0x4e: {  	_ =	shalt  }
0x4f: {  	_ =	shalt  }
0x50: {  	_ =	shalt  }
0x51: {  	_ =	shalt  }
0x52: {  	_ =	shalt  }
0x53: {  	_ =	shalt  }
0x54: {  	_ =	shalt  }
0x55: {  	_ =	shalt  }
0x56: {  	_ =	shalt  }
0x57: {  	_ =	shalt  }
0x58: {  	_ =	shalt  }
0x59: {  	_ =	shalt  }
0x5a: {  	_ =	shalt  }
0x5b: {  	_ =	shalt  }
0x5c: {  	_ =	shalt  }
0x5d: {  	_ =	shalt  }
0x5e: {  	_ =	shalt  }
0x5f: {  	_ =	shalt  }
0x60: {  	_ =	shalt  }
0x61: {  	_ =	shalt  }
0x62: {  	_ =	shalt  }
0x63: {  	_ =	shalt  }
0x64: {  	_ =	shalt  }
0x65: {  	_ =	shalt  }
0x66: {  	_ =	shalt  }
0x67: {  	_ =	shalt  }
0x68: {  	_ =	shalt  }
0x69: {  	_ =	shalt  }
0x6a: {  	_ =	shalt  }
0x6b: {  	_ =	shalt  }
0x6c: {  	_ =	shalt  }
0x6d: {  	_ =	shalt  }
0x6e: {  	_ =	shalt  }
0x6f: {  	_ =	shalt  }
0x70: {  	_ =	shalt  }
0x71: {  	_ =	shalt  }
0x72: {  	_ =	shalt  }
0x73: {  	_ =	shalt  }
0x74: {  	_ =	shalt  }
0x75: {  	_ =	shalt  }
0x76: {  	_ =	shalt  }
0x77: {  	_ =	shalt  }
0x78: {  	_ =	shalt  }
0x79: {  	_ =	shalt  }
0x7a: {  	_ =	shalt  }
0x7b: {  	_ =	shalt  }
0x7c: {  	_ =	shalt  }
0x7d: {  	_ =	shalt  }
0x7e: {  	_ =	shalt  }
0x7f: {  	_ =	shalt  }
0x80: {  	_ =	shalt  }
0x81: {  	_ =	shalt  }
0x82: {  	_ =	shalt  }
0x83: {  	_ =	shalt  }
0x84: {  	_ =	shalt  }
0x85: {  	_ =	shalt  }
0x86: {  	_ =	shalt  }
0x87: {  	_ =	shalt  }
.Lfunc_end0:
.L_simem_size_0:
called_computation.1_lowered:
.L_overlay_start_0:
0x88: {  	s2 =	sld [smem:$0x3FD9]  }
0x89: {  	s3 =	sld [smem:$0x3FFE];
	_ =	sdelay $0x1  }
0x8a: {  	s1 =	srdreg.scid  }
0x8b: {  	s0 =	sand.u32 $0x1, s1  }
0x8c: {  	s17 =	sshll.u32 s0, $0xA;
	s2 =	sadd.s32 s3, s2  }
0x8d: {  	s2 =	sadd.s32 s2, s17  }
0x8e: {  	[smem:$0x3FC6] =	sst s2  }
0x8f: {  	_ = 	snop  }
0x90: {  	s2 =	sld [smem:$0x3FD0];
	(tm) =	ssettm $0x1  }
0x91: {  	s18 =	sld [smem:$0x3FFB];
	_ =	sdelay $0x3  }
0x92: {  	_ =	strace s18  }
0x93: {  	s3 =	sld [smem:$0x3FFC];
	_ =	sdelay $0x3  }
0x94: {  	_ =	strace s3  }
0x95: {  	s3 =	sld [smem:$0x3FFD];
	_ =	sdelay $0x3  }
0x96: {  	_ =	strace s3  }
0x97: {  	_ =	strace $0x8FFFFFFF  }
0x98: {  	s19 =	sld [smem:$0x3FDB];
	_ =	sdelay $0x1  }
0x99: {  	s4 =	simm.s32 $_scs_section_size  }
0x9a: {  	s5 =	simm.s32 $_size__tile_overlayer_lowered;
	s6 =	simm.s32 $_tile_overlayer_lowered  }
0x9b: {  	s22 =	simm.s32 $0x1BFF;
	s21 =	sshll.u32 s6, $0x1;
	s3 =	sadd.s32 s4, s19  }
0x9c: {  	s7 =	simm.s32 $0x0;
	s20 =	sshll.u32 s5, $0x1;
	s5 =	sadd.s32 s21, s3  }
0x9d: {  	[timem:s7], [sflag:s22] =	dma.local [hbm:s5], s20  }
0x9e: {  	_ =	swait.ge [sflag:s22], s20  }
0x9f: {  	s4 =	ssub.s32 $0x0, s20;
	[sflag:s22] =	ssyncset.done $0x0  }
0xa0: {  	[sflag:s22] =	ssyncadd.s32 s4;
	_ =	sdelay $0x1  }
0xa1: {  	s23 =	simm.s32 $0x1B8B  }
0xa2: {  	_ =	swait.ge [sflag:s23], $0x1  }
0xa3: {  	[sflag:s23] =	ssyncset.done $0x0  }
0xa4: {  	s25 =	simm.s32 $0x1B8E;
	s24 =	sld [smem:$0x3FFE];
	[sflag:s23] =	ssyncadd.s32 $0xFFFFFFFF  }
0xa5: {  	s26 =	simm.s32 $execute0_lowered;
	[smem:$0x3FD2] =	sst s25  }
0xa6: {  	s5 =	sshll.u32 s26, $0x1;
	_ =	strace $0x80000046;
	[dreg:$0x1] =	wrdreg $0xFFFFFFFF  }
0xa7: {  	s28 =	simm.s32 $_size_execute0_lowered;
	s3 =	sadd.s32 s3, s5;
	[dreg:$0x0] =	wrdreg $0x0  }
0xa8: {  	s5 =	sshll.u32 s28, $0x1;
	[dreg:$0x2] =	wrdreg s3  }
0xa9: {  	[dreg:$0x3] =	wrdreg s5  }
0xaa: {  	[dreg:$0x4] =	wrdreg $0xC0  }
0xab: {  	_ =	task [dreg:s7], $0x5FFFF  }
0xac: {  	[dreg:$0x1] =	wrdreg $0xFFFFFFFF  }
0xad: {  	[dreg:$0x0] =	wrdreg $0x60  }
0xae: {  	[dreg:$0x2] =	wrdreg s24  }
0xaf: {  	[dreg:$0x3] =	wrdreg s2  }
0xb0: {  	[dreg:$0x4] =	wrdreg $0x9  }
0xb1: {  	_ =	task.clear_ibuf [dreg:s7], $0x5FFFF;
	_ =	strace $0x90000046  }
0xb2: {  	s29 =	simm.s32 $0x9;
	_ =	strace $0x80000048  }
0xb3: {  	_ =	swait.ge [sflag:s29], $0x1  }
0xb4: {  	[sflag:s29] =	ssyncadd.s32 $0xFFFFFFFF  }
0xb5: {  	_ =	strace $0x90000048  }
0xb6: {  	_ =	sfence  }
0xb7: {  	s30 =	sld [smem:$0x0];
	_ =	sdelay $0x2  }
0xb8: {  	s31 =	sshll.u32 s1, $0xD;
	s1 =	sshrl.u32 s1, $0x2  }
0xb9: {  	s3 =	sand.u32 $0x4000, s31;
	s1 =	sadd.s32 s1, s30  }
0xba: {  	s0 =	sor.u32 s3, s0;
	s1 =	sshll.u32 s1, $0x11  }
0xbb: {  	s0 =	sor.u32 s1, s0  }
0xbc: {  	s0 =	sadd.s32 $0x8F2B, s0  }
0xbd: {  	[sflag:s0] =	ssyncadd.remote.s32 $0x1  }
0xbe: {  	_ =	sfence.sel $0xFFFF  }
0xbf: {  	[dreg:$0x0] =	wrdreg $0xFFFFFFFF;
	(pc) =	sbr.abs _section_cstart, $3  }
0xc0: {  	[dreg:$0x1] =	wrdreg $0xFFFFFFFF  }
0xc1: {  	_ =	task.clear_ibuf [dreg:s7], $0x2FFFF;
	_ =	strace $0x9FFFFFFF  }
0xc2: {  	(tm) =	ssettm $0x7FFFFFFF  }
0xc3: {  	_ =	shalt  }
tec
execute0_lowered:
.L_overlay_start_1:
0x0: {  	(tag) =	ssettag $0x1  }
0x1: {  	s0 =	rddreg [dreg:$0x0];
	s2 =	simm.s32 $0x0  }
0x2: {  	s1 =	srdreg.scid;
	s7 =	stileid.u32;
	s14 =	simm.s32 $0x80  }
0x3: {  	s29 =	simm.s32 $0x12400;
	s31 =	simm.s32 $0x14400;
	s28 =	simm.s32 $0x8  }
0x4: {  	s30 =	simm.s32 $0x9;
	s8 =	simm.s32 $0xF;
	s9 =	simm.s32 $0x10  }
0x5: {  	s11 =	simm.s32 $0x0;
	[smem:$0x7FF] =	sst s2;
	s1 =	sand.u32 $0x1, s1  }
0x6: {  	s15 =	sshll.u32 s7, $0x5;
	s5 =	smul.u32 $0x6400, s7;
	s4 =	sadd.s32 $0xF42E00, s0  }
0x7: {  	s18 =	smul.u32 $0x320000, s7;
	s7 =	simm.s32 $0xE;
	s3 =	sshll.u32 s1, $0x4  }
0x8: {  	_ =	strace $0x80000047;
	s16 =	smul.u32 $0x3200, s1;
	s17 =	ssub.s32 $0x2, s1  }
0x9: {  	s1 =	smul.u32 $0x190000, s1;
	s2 =	sor.u32 s3, s15;
	s6 =	sshrl.u32 s17, $0x1  }
0xa: {  	s15 =	simm.s32 $0x3;
	s2 =	sadd.s32 s2, s0;
	s3 =	sadd.s32 s16, s5  }
0xb: {  	s0 =	ssub.s32 s17, s6;
	s22 =	sadd.s32 s1, s18;
	s17 =	simm.s32 $0x6400  }
0xc: {  	s18 =	simm.s32 $0x8400;
	s5 =	simm.s32 $0xB;
	s6 =	simm.s32 $0xC  }
0xd: {  	s16 =	simm.s32 $0xD;
	s3 =	sshll.u32 s3, $0x4;
	s2 =	sadd.s32 $0xA00, s2  }
0xe: {  	s0 =	smax.u32 s0, $0x1;
	s1 =	sor.u32 $0xC000, s22;
	[dreg:$0x3] =	wrdreg s2  }
0xf: {  	s23 =	sor.u32 $0x8000, s22;
	s24 =	sor.u32 $0x4000, s22;
	[dreg:$0x4] =	wrdreg s0  }
0x10: {  	s19 =	sor.u32 $0x1800, s3;
	s20 =	sor.u32 $0x1000, s3;
	s21 =	sor.u32 $0x800, s3  }
0x11: {  	s1 =	sshrl.u32 s1, $0x3;
	s2 =	sshrl.u32 s23, $0x3;
	s3 =	sshrl.u32 s24, $0x3  }
0x12: {  	s0 =	sshrl.u32 s22, $0x3;
	s22 =	simm.s32 $0xC400;
	[dreg:$0x5] =	wrdreg s19  }
0x13: {  	s24 =	simm.s32 $0xE400;
	s23 =	simm.s32 $0x6;
	[dreg:$0x6] =	wrdreg s20  }
0x14: {  	[dreg:$0x7] =	wrdreg s21;
	s1 =	sor.u32 $0x8, s1;
	s25 =	sor.u32 $0x8, s2  }
.Ltmp0:
0x15: {  	s26 =	sor.u32 $0x8, s3;
	[dreg:$0xb] =	wrdreg s0;
	(pc) =	sbr.rel .LBB2_1-.Ltmp0, $4  }
0x16: {  	s20 =	simm.s32 $0xA400;
	s0 =	simm.s32 $0x1;
	[dreg:$0x8] =	wrdreg s1  }
0x17: {  	s2 =	simm.s32 $0x40;
	s19 =	simm.s32 $0x4;
	[dreg:$0x9] =	wrdreg s25  }
0x18: {  	s21 =	simm.s32 $0x5;
	s3 =	simm.s32 $0xA;
	[dreg:$0xa] =	wrdreg s26  }
0x19: {  	s26 =	simm.s32 $0x10400;
	s1 =	simm.s32 $0x2;
	s25 =	simm.s32 $0x7  }
.LBB2_4:
0x1a: {  	_ =	swait.ge [sflag:s3], $0x2000  }
0x1b: {  	[sflag:s3] =	ssyncset.done $0x0  }
0x1c: {  	[sflag:s3] =	ssyncadd.s32 $0xFFFFE000  }
0x1d: {  	_ =	swait.ge [sflag:s5], $0x2000  }
0x1e: {  	[sflag:s5] =	ssyncset.done $0x0  }
0x1f: {  	[sflag:s5] =	ssyncadd.s32 $0xFFFFE000  }
0x20: {  	_ =	swait.ge [sflag:s6], $0x2000  }
0x21: {  	[sflag:s6] =	ssyncset.done $0x0  }
0x22: {  	[sflag:s6] =	ssyncadd.s32 $0xFFFFE000  }
0x23: {  	_ =	swait.ge [sflag:s16], $0x2000  }
0x24: {  	[sflag:s16] =	ssyncset.done $0x0  }
0x25: {  	[sflag:s16] =	ssyncadd.s32 $0xFFFFE000  }
0x26: {  	_ =	swait.ge [sflag:s7], $0x2000  }
0x27: {  	[sflag:s7] =	ssyncset.done $0x0  }
0x28: {  	[sflag:s7] =	ssyncadd.s32 $0xFFFFE000  }
0x29: {  	_ =	swait.ge [sflag:s8], $0x2000  }
0x2a: {  	[sflag:s8] =	ssyncset.done $0x0  }
0x2b: {  	[sflag:s8] =	ssyncadd.s32 $0xFFFFE000  }
0x2c: {  	_ =	swait.ge [sflag:s9], $0x2000  }
0x2d: {  	s11 =	rddreg [dreg:$0xc]  }
0x2e: {  	s10 =	rddreg [dreg:$0x4];
	s11 =	sadd.s32 $0x1, s11  }
0x2f: {  	p0 =	sne.s32 s11, s10  }
.Ltmp1:
0x30: {  	_ = 	snop;
	(pc) =	sbr.rel @!p0 .LBB2_5-.Ltmp1, $3  }
0x31: {  	_ =	sdelay $0x1  }
0x32: {  	[sflag:s9] =	ssyncset.done $0x0  }
0x33: {  	[sflag:s9] =	ssyncadd.s32 $0xFFFFE000  }
.LBB2_1:
0x34: {  	s10 =	simm.s32 $0x0;
	s13 =	rddreg [dreg:$0x3];
	s12 =	simm.s32 $0x1000  }
0x35: {  	[tilespmem:s10], [sflag:$0x11] =	stream.strided.gather [hbm4b:s13+s14], $0x6400, s12, s14, $0x38;
	[tilespmem:$0x16400] =	vst v63  }
0x36: {  	[dreg:$0xc] =	wrdreg s11;
	s13 =	simm.s32 $0x11  }
0x37: {  	_ =	swait.ge [sflag:s13], $0x6400  }
0x38: {  	[sflag:s13] =	ssyncset.done $0x0  }
0x39: {  	[sflag:s13] =	ssyncadd.s32 $0xFFFF9C00  }
0x3a: {  	[tilespmem:s17], [sflag:$0x1] =	stream.indirect.gather [hbm4b:s4+s14], $0x40, s10, s14, $0xb8;
	[tilespmem:$0x16400] =	vst v63  }
0x3b: {  	_ = 	snop  }
0x3c: {  	[tilespmem:s18], [sflag:$0x2] =	stream.indirect.gather [hbm4b:s4+s14], $0x40, s14, s14, $0xb8;
	[tilespmem:$0x16400] =	vst v63  }
0x3d: {  	s11 =	simm.s32 $0x100  }
0x3e: {  	[tilespmem:s20], [sflag:$0x3] =	stream.indirect.gather [hbm4b:s4+s14], $0x40, s11, s14, $0xb8;
	[tilespmem:$0x16400] =	vst v63  }
0x3f: {  	s12 =	simm.s32 $0x180  }
0x40: {  	[tilespmem:s22], [sflag:$0x4] =	stream.indirect.gather [hbm4b:s4+s14], $0x40, s12, s14, $0xb8;
	[tilespmem:$0x16400] =	vst v63  }
0x41: {  	s13 =	simm.s32 $0x200  }
0x42: {  	[tilespmem:s24], [sflag:$0x5] =	stream.indirect.gather [hbm4b:s4+s14], $0x40, s13, s14, $0xb8;
	[tilespmem:$0x16400] =	vst v63  }
0x43: {  	s11 =	simm.s32 $0x280  }
0x44: {  	[tilespmem:s26], [sflag:$0x6] =	stream.indirect.gather [hbm4b:s4+s14], $0x40, s11, s14, $0xb8;
	[tilespmem:$0x16400] =	vst v63  }
0x45: {  	s12 =	simm.s32 $0x300  }
0x46: {  	[tilespmem:s29], [sflag:$0x7] =	stream.indirect.gather [hbm4b:s4+s14], $0x40, s12, s14, $0xb8;
	[tilespmem:$0x16400] =	vst v63  }
0x47: {  	s10 =	rddreg [dreg:$0x1];
	s13 =	simm.s32 $0x380;
	s11 =	simm.s32 $0x0  }
0x48: {  	[tilespmem:s31], [sflag:$0x8] =	stream.indirect.gather [hbm4b:s4+s14], $0x40, s13, s14, $0xb8;
	[tilespmem:$0x16400] =	vst v63  }
.LBB2_2:
0x49: {  	_ =	swait.ge [sflag:s0], $0x2000  }
0x4a: {  	[sflag:s0] =	ssyncset.done $0x0;
	s12 =	rddreg [dreg:$0xb]  }
0x4b: {  	[sflag:s0] =	ssyncadd.s32 $0xFFFFE000;
	s12 =	sadd.s32 s10, s12  }
0x4c: {  	[hbm4b:s12+s2] =	stream.strided.scatter [tilespmem:s17], [sflag:$0x9], $0x2000, s14, s2, $0x38;
	[tilespmem:$0x16400] =	vst v63  }
0x4d: {  	_ =	swait.ge [sflag:s1], $0x2000  }
0x4e: {  	[sflag:s1] =	ssyncset.done $0x0  }
0x4f: {  	s12 =	sadd.s32 $0x8, s12;
	[sflag:s1] =	ssyncadd.s32 $0xFFFFE000  }
0x50: {  	[hbm4b:s12+s2] =	stream.strided.scatter [tilespmem:s18], [sflag:$0xA], $0x2000, s14, s2, $0x38;
	[tilespmem:$0x16400] =	vst v63  }
0x51: {  	_ =	swait.ge [sflag:s15], $0x2000  }
0x52: {  	[sflag:s15] =	ssyncset.done $0x0;
	s13 =	rddreg [dreg:$0x7]  }
0x53: {  	[sflag:s15] =	ssyncadd.s32 $0xFFFFE000;
	s12 =	sadd.s32 s10, s13  }
0x54: {  	[hbm4b:s12+s2] =	stream.strided.scatter [tilespmem:s20], [sflag:$0xB], $0x2000, s14, s2, $0x38;
	[tilespmem:$0x16400] =	vst v63  }
0x55: {  	_ =	swait.ge [sflag:s19], $0x2000  }
0x56: {  	[sflag:s19] =	ssyncset.done $0x0;
	s13 =	rddreg [dreg:$0xa]  }
0x57: {  	[sflag:s19] =	ssyncadd.s32 $0xFFFFE000;
	s12 =	sadd.s32 s10, s13  }
0x58: {  	[hbm4b:s12+s2] =	stream.strided.scatter [tilespmem:s22], [sflag:$0xC], $0x2000, s14, s2, $0x38;
	[tilespmem:$0x16400] =	vst v63  }
0x59: {  	_ =	swait.ge [sflag:s21], $0x2000  }
0x5a: {  	[sflag:s21] =	ssyncset.done $0x0;
	s13 =	rddreg [dreg:$0x6]  }
0x5b: {  	[sflag:s21] =	ssyncadd.s32 $0xFFFFE000;
	s12 =	sadd.s32 s10, s13  }
0x5c: {  	[hbm4b:s12+s2] =	stream.strided.scatter [tilespmem:s24], [sflag:$0xD], $0x2000, s14, s2, $0x38;
	[tilespmem:$0x16400] =	vst v63  }
0x5d: {  	_ =	swait.ge [sflag:s23], $0x2000  }
0x5e: {  	[sflag:s23] =	ssyncset.done $0x0;
	s13 =	rddreg [dreg:$0x9]  }
0x5f: {  	[sflag:s23] =	ssyncadd.s32 $0xFFFFE000;
	s12 =	sadd.s32 s10, s13  }
0x60: {  	[hbm4b:s12+s2] =	stream.strided.scatter [tilespmem:s26], [sflag:$0xE], $0x2000, s14, s2, $0x38;
	[tilespmem:$0x16400] =	vst v63  }
0x61: {  	_ =	swait.ge [sflag:s25], $0x2000  }
0x62: {  	[sflag:s25] =	ssyncset.done $0x0;
	s13 =	rddreg [dreg:$0x5]  }
0x63: {  	[sflag:s25] =	ssyncadd.s32 $0xFFFFE000;
	s12 =	sadd.s32 s10, s13  }
0x64: {  	[hbm4b:s12+s2] =	stream.strided.scatter [tilespmem:s29], [sflag:$0xF], $0x2000, s14, s2, $0x38;
	[tilespmem:$0x16400] =	vst v63  }
0x65: {  	_ =	swait.ge [sflag:s28], $0x2000  }
0x66: {  	p0 =	seq.s32 s11, $0x18000;
	[sflag:s28] =	ssyncset.done $0x0;
	s13 =	rddreg [dreg:$0x8]  }
.Ltmp2:
0x67: {  	[sflag:s28] =	ssyncadd.s32 $0xFFFFE000;
	s12 =	sadd.s32 s10, s13;
	(pc) =	sbr.rel @p0 .LBB2_4-.Ltmp2, $4  }
0x68: {  	[hbm4b:s12+s2] =	stream.strided.scatter [tilespmem:s31], [sflag:$0x10], $0x2000, s14, s2, $0x38;
	[tilespmem:$0x16400] =	vst v63  }
0x69: {  	_ =	swait.ge [sflag:s30], $0x2000  }
0x6a: {  	[sflag:s30] =	ssyncset.done $0x0  }
0x6b: {  	[sflag:s30] =	ssyncadd.s32 $0xFFFFE000  }
0x6c: {  	s12 =	sshra.s32 s11, $0x2  }
0x6d: {  	s13 =	sadd.s32 $0x400, s12  }
0x6e: {  	[tilespmem:s17], [sflag:$0x1] =	stream.indirect.gather [hbm4b:s4+s14], $0x40, s13, s14, $0xb8;
	[tilespmem:$0x16400] =	vst v63  }
0x6f: {  	_ =	swait.ge [sflag:s3], $0x2000  }
0x70: {  	[sflag:s3] =	ssyncset.done $0x0  }
0x71: {  	s13 =	sadd.s32 $0x480, s12;
	[sflag:s3] =	ssyncadd.s32 $0xFFFFE000  }
0x72: {  	[tilespmem:s18], [sflag:$0x2] =	stream.indirect.gather [hbm4b:s4+s14], $0x40, s13, s14, $0xb8;
	[tilespmem:$0x16400] =	vst v63  }
0x73: {  	_ =	swait.ge [sflag:s5], $0x2000  }
0x74: {  	[sflag:s5] =	ssyncset.done $0x0  }
0x75: {  	s13 =	sadd.s32 $0x500, s12;
	[sflag:s5] =	ssyncadd.s32 $0xFFFFE000  }
0x76: {  	[tilespmem:s20], [sflag:$0x3] =	stream.indirect.gather [hbm4b:s4+s14], $0x40, s13, s14, $0xb8;
	[tilespmem:$0x16400] =	vst v63  }
0x77: {  	_ =	swait.ge [sflag:s6], $0x2000  }
0x78: {  	[sflag:s6] =	ssyncset.done $0x0  }
0x79: {  	s13 =	sadd.s32 $0x580, s12;
	[sflag:s6] =	ssyncadd.s32 $0xFFFFE000  }
0x7a: {  	[tilespmem:s22], [sflag:$0x4] =	stream.indirect.gather [hbm4b:s4+s14], $0x40, s13, s14, $0xb8;
	[tilespmem:$0x16400] =	vst v63  }
0x7b: {  	_ =	swait.ge [sflag:s16], $0x2000  }
0x7c: {  	[sflag:s16] =	ssyncset.done $0x0  }
0x7d: {  	s13 =	sadd.s32 $0x600, s12;
	[sflag:s16] =	ssyncadd.s32 $0xFFFFE000  }
0x7e: {  	[tilespmem:s24], [sflag:$0x5] =	stream.indirect.gather [hbm4b:s4+s14], $0x40, s13, s14, $0xb8;
	[tilespmem:$0x16400] =	vst v63  }
0x7f: {  	_ =	swait.ge [sflag:s7], $0x2000  }
0x80: {  	[sflag:s7] =	ssyncset.done $0x0  }
0x81: {  	s13 =	sadd.s32 $0x680, s12;
	[sflag:s7] =	ssyncadd.s32 $0xFFFFE000  }
0x82: {  	[tilespmem:s26], [sflag:$0x6] =	stream.indirect.gather [hbm4b:s4+s14], $0x40, s13, s14, $0xb8;
	[tilespmem:$0x16400] =	vst v63  }
0x83: {  	_ =	swait.ge [sflag:s8], $0x2000  }
0x84: {  	[sflag:s8] =	ssyncset.done $0x0  }
0x85: {  	s13 =	sadd.s32 $0x700, s12;
	[sflag:s8] =	ssyncadd.s32 $0xFFFFE000  }
0x86: {  	[tilespmem:s29], [sflag:$0x7] =	stream.indirect.gather [hbm4b:s4+s14], $0x40, s13, s14, $0xb8;
	[tilespmem:$0x16400] =	vst v63  }
.Ltmp3:
0x87: {  	_ = 	snop;
	(pc) =	sbr.rel .LBB2_2-.Ltmp3, $4  }
0x88: {  	_ =	swait.ge [sflag:s9], $0x2000  }
0x89: {  	s11 =	sadd.s32 $0x1000, s11;
	[sflag:s9] =	ssyncset.done $0x0  }
0x8a: {  	s10 =	sadd.s32 $0x2000, s10;
	s12 =	sadd.s32 $0x780, s12;
	[sflag:s9] =	ssyncadd.s32 $0xFFFFE000  }
0x8b: {  	[tilespmem:s31], [sflag:$0x8] =	stream.indirect.gather [hbm4b:s4+s14], $0x40, s12, s14, $0xb8;
	[tilespmem:$0x16400] =	vst v63  }
.LBB2_5:
0x8c: {  	_ =	sfence.sel $0x180000  }
0x8d: {  	[bflag:$0x0] =	sbarrier.arrive $0xFFFF  }
0x8e: {  	_ =	strace $0x90000047  }
0x8f: {  	s0 =	stileid.u32;
	[bflag:$0x2] =	sbarrier.arrive $0xFFFF  }
0x90: {  	p0 =	sne.s32 s0, $0x0;
	s0 =	rddreg [dreg:$0x2]  }
0x91: {  	s0 =	sadd.s32 @!p0 $0x100000, s0  }
0x92: {  	[sflag:s0] =	ssyncadd.tile.s32 @!p0 $0x1;
	_ =	shalt  }
.Lfunc_end2:
_tile_overlayer_lowered:
.L_overlay_start_2:
0x93: {  	(tag) =	ssettag $0x2  }
0x94: {  	s0 =	rddreg [dreg:$0x0];
	s2 =	stileid.u32  }
0x95: {  	s1 =	rddreg [dreg:$0x1];
	p0 =	sne.s32 s2, $0x0  }
0x96: {  	s3 =	rddreg [dreg:$0x2];
	[bflag:$0x3] =	sbarrier.arrive $0xFFFF;
	s2 =	simm.s32 @!p0 $0x1C11  }
0x97: {  	[timem:s3], [sflag:s2] =	dma.local @!p0 [hbm:s0], s1  }
0x98: {  	s0 =	simm.s32 @!p0 $0x11  }
0x99: {  	_ =	swait.ge @!p0 [sflag:s0], s1  }
0x9a: {  	s1 =	ssub.s32 @!p0 $0x0, s1;
	[sflag:s0] =	ssyncset.done @!p0 $0x0  }
0x9b: {  	[sflag:s0] =	ssyncadd.s32 @!p0 s1  }
0x9c: {  	[bflag:$0x3] =	sbarrier.arrive $0xFFFF  }
0x9d: {  	_ =	shalt  }

// kernel: sparse-core-data-format-call.cloned.1.call-start
scs
called_computation_lowered:
.L_overlay_start_0:
0x0: {  	s2 =	sld [smem:$0x3FD9]  }
0x1: {  	s3 =	sld [smem:$0x3FFE];
	_ =	sdelay $0x1  }
0x2: {  	s1 =	srdreg.scid  }
0x3: {  	s0 =	sand.u32 $0x1, s1  }
0x4: {  	s18 =	sshll.u32 s0, $0xA;
	s2 =	sadd.s32 s3, s2  }
0x5: {  	s2 =	sadd.s32 s2, s18  }
0x6: {  	[smem:$0x3FC6] =	sst s2  }
0x7: {  	_ = 	snop  }
0x8: {  	s2 =	sld [smem:$0x3FD0];
	(tm) =	ssettm $0x1  }
0x9: {  	s19 =	sld [smem:$0x3FFB];
	_ =	sdelay $0x3  }
0xa: {  	_ =	strace s19  }
0xb: {  	s3 =	sld [smem:$0x3FFC];
	_ =	sdelay $0x3  }
0xc: {  	_ =	strace s3  }
0xd: {  	s3 =	sld [smem:$0x3FFD];
	_ =	sdelay $0x3  }
0xe: {  	_ =	strace s3  }
0xf: {  	_ =	strace $0x8FFFFFFF  }
0x10: {  	s20 =	sld [smem:$0x3FDB];
	_ =	sdelay $0x1  }
0x11: {  	s4 =	simm.s32 $_scs_section_size  }
0x12: {  	s5 =	simm.s32 $_size__tile_overlayer_lowered;
	s6 =	simm.s32 $_tile_overlayer_lowered  }
0x13: {  	s23 =	simm.s32 $0x1BFF;
	s22 =	sshll.u32 s6, $0x1;
	s3 =	sadd.s32 s4, s20  }
0x14: {  	s7 =	simm.s32 $0x0;
	s21 =	sshll.u32 s5, $0x1;
	s5 =	sadd.s32 s22, s3  }
0x15: {  	[timem:s7], [sflag:s23] =	dma.local [hbm:s5], s21  }
0x16: {  	_ =	swait.ge [sflag:s23], s21  }
0x17: {  	s4 =	ssub.s32 $0x0, s21;
	[sflag:s23] =	ssyncset.done $0x0  }
0x18: {  	[sflag:s23] =	ssyncadd.s32 s4;
	_ =	sdelay $0x1  }
0x19: {  	s24 =	simm.s32 $0x1B8B  }
0x1a: {  	_ =	swait.ge [sflag:s24], $0x1  }
0x1b: {  	[sflag:s24] =	ssyncset.done $0x0  }
0x1c: {  	s26 =	simm.s32 $0x1B8E;
	s25 =	sld [smem:$0x3FFE];
	[sflag:s24] =	ssyncadd.s32 $0xFFFFFFFF  }
0x1d: {  	s27 =	simm.s32 $execute0_lowered;
	[smem:$0x3FD2] =	sst s26  }
0x1e: {  	s5 =	sshll.u32 s27, $0x1;
	_ =	strace $0x80000049;
	[dreg:$0x1] =	wrdreg $0xFFFFFFFF  }
0x1f: {  	s28 =	simm.s32 $_size_execute0_lowered;
	s3 =	sadd.s32 s3, s5;
	[dreg:$0x0] =	wrdreg $0x0  }
0x20: {  	s5 =	sshll.u32 s28, $0x1;
	[dreg:$0x2] =	wrdreg s3  }
0x21: {  	[dreg:$0x3] =	wrdreg s5  }
0x22: {  	[dreg:$0x4] =	wrdreg $0xC0  }
0x23: {  	_ =	task [dreg:s7], $0x5FFFF  }
0x24: {  	[dreg:$0x1] =	wrdreg $0xFFFFFFFF  }
0x25: {  	[dreg:$0x0] =	wrdreg $0x60  }
0x26: {  	[dreg:$0x2] =	wrdreg s2  }
0x27: {  	[dreg:$0x3] =	wrdreg s25  }
0x28: {  	[dreg:$0x4] =	wrdreg $0x9  }
0x29: {  	_ =	task.clear_ibuf [dreg:s7], $0x5FFFF;
	_ =	strace $0x90000049  }
0x2a: {  	s29 =	simm.s32 $0x9;
	_ =	strace $0x8000004B  }
0x2b: {  	_ =	swait.ge [sflag:s29], $0x1  }
0x2c: {  	[sflag:s29] =	ssyncadd.s32 $0xFFFFFFFF  }
0x2d: {  	_ =	strace $0x9000004B  }
0x2e: {  	_ =	sfence  }
0x2f: {  	s30 =	sld [smem:$0x0];
	_ =	sdelay $0x2  }
0x30: {  	s31 =	sshll.u32 s1, $0xD;
	s1 =	sshrl.u32 s1, $0x2  }
0x31: {  	s3 =	sand.u32 $0x4000, s31;
	s1 =	sadd.s32 s1, s30  }
0x32: {  	s0 =	sor.u32 s3, s0;
	s1 =	sshll.u32 s1, $0x11  }
0x33: {  	s0 =	sor.u32 s1, s0  }
0x34: {  	s0 =	sadd.s32 $0x8F2B, s0  }
0x35: {  	[sflag:s0] =	ssyncadd.remote.s32 $0x1  }
0x36: {  	_ =	sfence.sel $0xFFFF  }
0x37: {  	[dreg:$0x0] =	wrdreg $0xFFFFFFFF;
	(pc) =	sbr.abs _section_cstart, $3  }
0x38: {  	[dreg:$0x1] =	wrdreg $0xFFFFFFFF  }
0x39: {  	_ =	task.clear_ibuf [dreg:s7], $0x2FFFF;
	_ =	strace $0x9FFFFFFF  }
0x3a: {  	(tm) =	ssettm $0x7FFFFFFF  }
0x3b: {  	_ =	shalt  }
tec
execute0_lowered:
.L_overlay_start_1:
0x0: {  	(tag) =	ssettag $0x1  }
0x1: {  	s2 =	rddreg [dreg:$0x0]  }
0x2: {  	s1 =	rddreg [dreg:$0x1]  }
0x3: {  	s0 =	rddreg [dreg:$0x2];
	_ =	strace $0x8000004A;
	s4 =	srdreg.scid  }
0x4: {  	s6 =	simm.s32 $0x2;
	s11 =	simm.s32 $0x0;
	p0 =	por $0x0, $0x0  }
.Ltmp0:
0x5: {  	s7 =	simm.s32 $0x1000;
	s12 =	simm.s32 $0x0;
	(pc) =	sbr.rel .LBB1_1-.Ltmp0, $4  }
0x6: {  	s9 =	simm.s32 $0x0;
	s3 =	sadd.s32 $0xA00, s1;
	s5 =	sshll.u32 s4, $0x4  }
0x7: {  	s1 =	stileid.u32;
	s4 =	simm.s32 $0x1;
	s5 =	sand.u32 $0x10, s5  }
0x8: {  	s8 =	simm.s32 $0x0;
	[sflag:s4] =	ssyncpa.u1 $0x0;
	s5 =	sor.u32 s1, s5  }
0x9: {  	[sflag:s6] =	ssyncpa.u1 $0x0;
	s6 =	simm.s32 $0x80;
	s10 =	smov.u32 s5  }
.LBB1_5:
0xa: {  	s13 =	sadd.s32 $0x1, s9  }
0xb: {  	s11 =	sadd.s32 $0x20, s10;
	s15 =	smov.u32 s10;
	p2 =	sgt.s32 s13, $0x63  }
0xc: {  	p1 =	slt.u32 s8, $0x2;
	s15 =	smov.u32 @p2 s11  }
0xd: {  	s8 =	sadd.s32 $0x1, s8;
	s13 =	simm.s32 @p2 $0x0;
	p2 =	sgt.s32 s15, $0x1F  }
0xe: {  	s15 =	smov.u32 @p2 s5;
	p2 =	sne.s32 s8, $0x66  }
.Ltmp1:
0xf: {  	_ = 	snop;
	(pc) =	sbr.rel @!p2 .LBB1_6-.Ltmp1, $4  }
0x10: {  	s14 =	simm.s32 @!p1 $0x2  }
0x11: {  	s12 =	smov.u32 s10;
	_ =	swait.ge @!p1 [sflag:s14], $0x4000  }
0x12: {  	p0 =	por !p0, !p0;
	s11 =	smov.u32 s9;
	[sflag:s14] =	ssyncset.done @!p1 $0x0  }
0x13: {  	s9 =	smov.u32 s13;
	[sflag:s14] =	ssyncadd.s32 @!p1 $0xFFFFC000;
	s10 =	smov.u32 s15  }
.LBB1_1:
0x14: {  	p1 =	sgt.u32 s8, $0x63  }
0x15: {  	s13 =	smul.u32 @!p1 $0x32000, s10  }
0x16: {  	s14 =	sxor.u32 @!p1 $0xFFFFFFFF, s8  }
0x17: {  	s15 =	sshll.u32 @!p1 s9, $0xB;
	s14 =	sshll.u32 @!p1 s14, $0xE;
	s13 =	sadd.s32 @!p1 s2, s13  }
0x18: {  	s14 =	sand.u32 @!p1 $0x4000, s14;
	s13 =	sadd.s32 @!p1 s15, s13;
	s15 =	simm.s32 @!p1 $0x0  }
0x19: {  	[tilespmem:s14], [sflag:$0x1] =	stream.linear.gather @!p1 [hbm4b:s13+s15], $0x4000, $0x38;
	[tilespmem:$0x10100] =	vst v63  }
0x1a: {  	p1 =	seq.s32 s8, $0x0  }
0x1b: {  	p2 =	seq.s32 @!p1 s8, $0x65  }
0x1c: {  	p1 =	por p1, p2  }
.Ltmp2:
0x1d: {  	_ = 	snop;
	(pc) =	sbr.rel @p1 .LBB1_5-.Ltmp2, $1  }
0x1e: {  	_ =	sdelay $0x3  }
0x1f: {  	s13 =	simm.s32 $0x1  }
0x20: {  	_ =	swait.ge [sflag:s4], $0x4000;
	s13 =	simm.s32 @!p0 $0x0  }
0x21: {  	[sflag:s4] =	ssyncset.done $0x0;
	s14 =	sshll.u32 s13, $0xE  }
0x22: {  	[sflag:s4] =	ssyncadd.s32 $0xFFFFC000;
	s16 =	sor.u32 $0x40, s14  }
0x23: {  	s13 =	smul.u32 $0x10200, s13;
	v0 =	vld [tilespmem:s16+$0x30]  }
0x24: {  	v3 =	vld [tilespmem:s16+$0xFFFFFFD0]  }
0x25: {  	s13 =	sshrl.u32 s13, $0x2;
	v4 =	vld [tilespmem:s16+$0xFFFFFFE0]  }
0x26: {  	v5 =	vld [tilespmem:s16+$0xFFFFFFF0];
	s14 =	sor.u32 $0x8000, s13  }
0x27: {  	s31 =	sand.u32 $0x1, s8;
	v1 =	vld [tilespmem:s16+$0x0];
	s15 =	sadd.s32 $0x0, s14  }
0x28: {  	v2 =	vld [tilespmem:s16+$0x10];
	s13 =	smul.u32 $0x10200, s31;
	[tilespmem:s15+$0x3870 ss:$0x81] =	vst.msk $0xffff, v0  }
0x29: {  	[tilespmem:s15+$0x810 ss:$0x81] =	vst.msk $0xffff, v3;
	v3 =	vld [tilespmem:s16+$0x20]  }
0x2a: {  	s13 =	sshrl.u32 s13, $0x2;
	v0 =	vld [tilespmem:s16+$0xFFFFFFC0];
	[tilespmem:s15+$0x1020 ss:$0x81] =	vst.msk $0xffff, v4;
	s16 =	sadd.s32 $0x80, s16  }
0x2b: {  	s17 =	simm.s32 $0x4;
	s18 =	simm.s32 $0x8;
	s13 =	sor.u32 $0x8000, s13;
	[tilespmem:s15+$0x1830 ss:$0x81] =	vst.msk $0xffff, v5;
	v4 =	vld [tilespmem:s16+$0x30]  }
.LBB1_3:
0x2c: {  	p1 =	sne.s32 s18, $0x1FC;
	v5 =	vld [tilespmem:s16+$0xFFFFFFD0];
	[tilespmem:s15+$0x2040 ss:$0x81] =	vst.msk $0xffff, v1  }
0x2d: {  	v6 =	vld [tilespmem:s16+$0xFFFFFFE0];
	[tilespmem:s15+$0x2850 ss:$0x81] =	vst.msk $0xffff, v2  }
0x2e: {  	s19 =	sshra.s32 s17, $0x2;
	s17 =	smov.u32 s18;
	v7 =	vld [tilespmem:s16+$0xFFFFFFF0];
	[tilespmem:s15+$0x3060 ss:$0x81] =	vst.msk $0xffff, v3  }
.Ltmp3:
0x2f: {  	v1 =	vld [tilespmem:s16+$0x0];
	[tilespmem:s15+$0x0 ss:$0x81] =	vst.msk $0xffff, v0;
	s15 =	sadd.s32 s19, s14;
	(pc) =	sbr.rel @p1 .LBB1_3-.Ltmp3, $4  }
0x30: {  	v2 =	vld [tilespmem:s16+$0x10];
	[tilespmem:s15+$0x3870 ss:$0x81] =	vst.msk $0xffff, v4  }
0x31: {  	[tilespmem:s15+$0x810 ss:$0x81] =	vst.msk $0xffff, v5;
	v3 =	vld [tilespmem:s16+$0x20]  }
0x32: {  	v0 =	vld [tilespmem:s16+$0xFFFFFFC0];
	[tilespmem:s15+$0x1020 ss:$0x81] =	vst.msk $0xffff, v6;
	s16 =	sadd.s32 $0x80, s16  }
0x33: {  	s18 =	sadd.s32 $0x4, s18;
	v4 =	vld [tilespmem:s16+$0x30];
	[tilespmem:s15+$0x1830 ss:$0x81] =	vst.msk $0xffff, v7  }
0x34: {  	v5 =	vld [tilespmem:s16+$0xFFFFFFD0];
	[tilespmem:s15+$0x2040 ss:$0x81] =	vst.msk $0xffff, v1  }
0x35: {  	v58 =	vld [tilespmem:s16+$0xFFFFFFE0];
	[tilespmem:s15+$0x2850 ss:$0x81] =	vst.msk $0xffff, v2  }
0x36: {  	s17 =	sshra.s32 s17, $0x2;
	v59 =	vld [tilespmem:s16+$0xFFFFFFF0];
	[tilespmem:s15+$0x3060 ss:$0x81] =	vst.msk $0xffff, v3  }
0x37: {  	v60 =	vld [tilespmem:s16+$0x0];
	s14 =	sadd.s32 s17, s14;
	[tilespmem:s15+$0x0 ss:$0x81] =	vst.msk $0xffff, v0  }
0x38: {  	v61 =	vld [tilespmem:s16+$0x10];
	[tilespmem:s14+$0x3870 ss:$0x81] =	vst.msk $0xffff, v4  }
0x39: {  	v62 =	vld [tilespmem:s16+$0x20];
	[tilespmem:s14+$0x810 ss:$0x81] =	vst.msk $0xffff, v5  }
0x3a: {  	v63 =	vld [tilespmem:s16+$0xFFFFFFC0];
	[tilespmem:s14+$0x1020 ss:$0x81] =	vst.msk $0xffff, v58  }
0x3b: {  	[tilespmem:s14+$0x1830 ss:$0x81] =	vst.msk $0xffff, v59  }
.Ltmp4:
0x3c: {  	s12 =	sshll.u32 s12, $0x4;
	[tilespmem:s14+$0x2040 ss:$0x81] =	vst.msk $0xffff, v60;
	(pc) =	sbr.rel .LBB1_5-.Ltmp4, $4  }
0x3d: {  	s12 =	sand.u32 $0x1F0, s12;
	[tilespmem:s14+$0x2850 ss:$0x81] =	vst.msk $0xffff, v61  }
0x3e: {  	s11 =	sshll.u32 s11, $0x10;
	s12 =	sadd.s32 s3, s12;
	[tilespmem:s14+$0x3060 ss:$0x81] =	vst.msk $0xffff, v62  }
0x3f: {  	s11 =	sadd.s32 s11, s12;
	[tilespmem:s14+$0x0 ss:$0x81] =	vst.msk $0xffff, v63  }
0x40: {  	[hbm4b:s11+s6] =	stream.strided.scatter [tilespmem:s13], [sflag:$0x2], $0x4000, s7, s6, $0x20;
	[tilespmem:$0x10100] =	vst v63  }
.LBB1_6:
0x41: {  	_ =	sfence.sel $0x180000  }
0x42: {  	s2 =	simm.s32 $0x1;
	[bflag:$0x0] =	sbarrier.arrive $0xFFFF  }
0x43: {  	s31 =	simm.s32 $0x2;
	[sflag:s2] =	ssyncpa.u1 $0x1  }
0x44: {  	[sflag:s31] =	ssyncpa.u1 $0x1  }
0x45: {  	p0 =	sne.s32 s1, $0x0;
	_ =	strace $0x9000004A  }
0x46: {  	s0 =	sadd.s32 @!p0 $0x100000, s0;
	[bflag:$0x2] =	sbarrier.arrive $0xFFFF  }
0x47: {  	[sflag:s0] =	ssyncadd.tile.s32 @!p0 $0x1;
	_ =	shalt  }
.Lfunc_end1:
_tile_overlayer_lowered:
.L_overlay_start_2:
0x48: {  	(tag) =	ssettag $0x2  }
0x49: {  	s0 =	rddreg [dreg:$0x0];
	s2 =	stileid.u32  }
0x4a: {  	s1 =	rddreg [dreg:$0x1];
	p0 =	sne.s32 s2, $0x0  }
0x4b: {  	s3 =	rddreg [dreg:$0x2];
	[bflag:$0x3] =	sbarrier.arrive $0xFFFF;
	s2 =	simm.s32 @!p0 $0x1C01  }
0x4c: {  	[timem:s3], [sflag:s2] =	dma.local @!p0 [hbm:s0], s1  }
0x4d: {  	s0 =	simm.s32 @!p0 $0x1  }
0x4e: {  	_ =	swait.ge @!p0 [sflag:s0], s1  }
0x4f: {  	s1 =	ssub.s32 @!p0 $0x0, s1;
	[sflag:s0] =	ssyncset.done @!p0 $0x0  }
0x50: {  	[sflag:s0] =	ssyncadd.s32 @!p0 s1  }
0x51: {  	[bflag:$0x3] =	sbarrier.arrive $0xFFFF  }
0x52: {  	_ =	shalt  }

</sc_bundles>
